<compile_context>
chip_gen: v7x
topology: tpu7x:2x2x1
jax: 0.10.2.dev20260603
libtpu: 0.0.44.dev20260713+nightly
codegen_flags: <defaults>
</compile_context>

<pallas_src>
import functools

import jax
import jax.numpy as jnp
from jax import lax
from jax.experimental import pallas as pl
from jax.experimental.pallas import tpu as pltpu
from jax.experimental.pallas import tpu_sc as plsc

_NC, _NS, _L = 2, 16, 16
_NW = _NC * _NS
_PCH = 16384


def kernel(x, table):
    batch, seq_len, dim = x.shape
    flat = batch * seq_len * dim
    tflat = seq_len * dim
    span = flat // _NW
    n_pieces = span // _PCH
    half = n_pieces // 2
    w_per_b = _NW // batch
    xf = x.reshape(flat)
    tf = table[:seq_len].reshape(tflat)

    mesh = plsc.VectorSubcoreMesh(core_axis_name="c", subcore_axis_name="s")

    vmem = lambda: pltpu.VMEM((_PCH,), jnp.float32)

    @functools.partial(
        pl.kernel,
        mesh=mesh,
        out_type=jax.ShapeDtypeStruct((flat,), jnp.float32),
        scratch_types=(
            (vmem(), vmem()),
            (vmem(), vmem()),
            (vmem(), vmem()),
            (pltpu.SemaphoreType.DMA,) * 2,
            (pltpu.SemaphoreType.DMA,) * 2,
        ),
    )
    def k(x_hbm, t_hbm, o_hbm, tbufs, xbufs, obufs, lsems, ssems):
        wid = lax.axis_index("s") * _NC + lax.axis_index("c")
        base = wid * span
        tbase = (wid % w_per_b) * span

        def issue_load(r, p):
            off = p * _PCH
            pltpu.async_copy(t_hbm.at[pl.ds(tbase + off, _PCH)], tbufs[r], lsems[r])
            pltpu.async_copy(x_hbm.at[pl.ds(base + off, _PCH)], xbufs[r], lsems[r])

        def wait_load(r):
            pltpu.make_async_copy(t_hbm.at[pl.ds(0, _PCH)], tbufs[r], lsems[r]).wait()
            pltpu.make_async_copy(x_hbm.at[pl.ds(0, _PCH)], xbufs[r], lsems[r]).wait()

        def issue_store(r, p):
            pltpu.async_copy(obufs[r], o_hbm.at[pl.ds(base + p * _PCH, _PCH)], ssems[r])

        def wait_store(r):
            pltpu.make_async_copy(obufs[r], o_hbm.at[pl.ds(0, _PCH)], ssems[r]).wait()

        def compute(r):
            @plsc.parallel_loop(0, _PCH, step=_L, unroll=8)
            def vec(v):
                sl = pl.ds(v, _L)
                obufs[r][sl] = xbufs[r][sl] + tbufs[r][sl]

        issue_load(0, 0)
        issue_load(1, 1)

        for r in range(2):
            wait_load(r)
            compute(r)
            issue_store(r, r)
            issue_load(r, r + 2)

        def body(g, c):
            for r in range(2):
                p = g * 2 + r
                wait_load(r)
                wait_store(r)
                compute(r)
                issue_store(r, p)
                issue_load(r, p + 2)
            return c

        lax.fori_loop(1, half - 1, body, 0)

        for r in range(2):
            p = (half - 1) * 2 + r
            wait_load(r)
            wait_store(r)
            compute(r)
            issue_store(r, p)
        for r in range(2):
            wait_store(r)

    out = k(xf, tf)
    return out.reshape(batch, seq_len, dim)

# --- scband reference (transcript-rebuilt; emitter-appended) ---
"""Pipeline reference for scband-positional-embedding-23038204576055 (READ-ONLY COPY).

The authoritative reference and input builder live on the scoring server;
editing this copy changes nothing except your own understanding.
"""

import jax, jax.numpy as jnp
import numpy as np

MAX_SEQ_LEN = 8192
EMBED_DIM = 1024
BATCH = 4
SEQ_LEN = 8192

def setup_inputs(seed: int = 0) -> dict:
    key = jax.random.key(seed)
    k_x, k_w = jax.random.split(key)
    x = jax.random.normal(k_x, (BATCH, SEQ_LEN, EMBED_DIM), dtype=jnp.float32)
    # learned positional embedding table, nn.Embedding default init ~ N(0,1)
    table = jax.random.normal(k_w, (MAX_SEQ_LEN, EMBED_DIM), dtype=jnp.float32)
    return {"x": x, "table": table}

def reference(x, table):
    seq_len = x.shape[1]
    positions = jnp.arange(seq_len, dtype=jnp.int32)
    # embedding lookup: gather rows of the table by position index
    pos_emb = jnp.take(table, positions, axis=0)[None, :, :]  # [1, S, D]
    return x + pos_emb

if __name__ == "__main__":
    import jax
    _d = setup_inputs()
    print(jax.jit(kernel)(*tuple(_d.values())))

</pallas_src>

<mosaic_0001>
#map = affine_map<(d0, d1) -> (0)>
module attributes {stable_mosaic.version = 14 : i64} {
  func.func @k(%arg0: i32, %arg1: i32, %arg2: memref<33554432xf32, #tpu.memory_space<hbm>>, %arg3: memref<8388608xf32, #tpu.memory_space<hbm>>, %arg4: memref<33554432xf32, #tpu.memory_space<hbm>>, %arg5: memref<16384xf32, #tpu.memory_space<vmem>>, %arg6: memref<16384xf32, #tpu.memory_space<vmem>>, %arg7: memref<16384xf32, #tpu.memory_space<vmem>>, %arg8: memref<16384xf32, #tpu.memory_space<vmem>>, %arg9: memref<16384xf32, #tpu.memory_space<vmem>>, %arg10: memref<16384xf32, #tpu.memory_space<vmem>>, %arg11: memref<!tpu.dma_semaphore, #tpu.memory_space<semaphore_mem>>, %arg12: memref<!tpu.dma_semaphore, #tpu.memory_space<semaphore_mem>>, %arg13: memref<!tpu.dma_semaphore, #tpu.memory_space<semaphore_mem>>, %arg14: memref<!tpu.dma_semaphore, #tpu.memory_space<semaphore_mem>>) attributes {dimension_semantics = [#tpu.dimension_semantics<core_parallel>, #tpu.dimension_semantics<subcore_parallel>], iteration_bounds = array<i64: 2, 16>, scalar_prefetch = 0 : i64, scratch_operands = 10 : i64, tpu.core_type = #tpu.core_type<sc_vector_subcore>, window_params = [{transform_indices = #map}, {transform_indices = #map}, {transform_indices = #map}]} {
    %mul3A = arith.constant 2 : i32
    %mul3A_0 = arith.muli %arg1, %mul3A : i32
    %add3A = arith.addi %mul3A_0, %arg0 : i32
    %mul3A_1 = arith.constant 1048576 : i32
    %mul3A_2 = arith.muli %add3A, %mul3A_1 : i32
    %jit3A = arith.constant 8 : i32
    %eq3A = arith.constant 0 : i32
    %eq3A_3 = arith.cmpi eq, %jit3A, %eq3A : i32
    %jit3A_4 = arith.constant 1 : i32
    %select_n3A = arith.select %eq3A_3, %jit3A_4, %jit3A : i32
    %rem3A = arith.remsi %add3A, %select_n3A : i32
    %ne3A = arith.constant 0 : i32
    %ne3A_5 = arith.cmpi ne, %rem3A, %ne3A : i32
    %lt3A = arith.constant 0 : i32
    %lt3A_6 = arith.cmpi slt, %rem3A, %lt3A : i32
    %lt3A_7 = arith.constant 0 : i32
    %lt3A_8 = arith.cmpi slt, %select_n3A, %lt3A_7 : i32
    %ne3A_9 = arith.xori %lt3A_6, %lt3A_8 : i1
    %and3A = arith.andi %ne3A_9, %ne3A_5 : i1
    %add3A_10 = arith.addi %rem3A, %select_n3A : i32
    %select_n3A_11 = arith.select %and3A, %add3A_10, %rem3A : i32
    %mul3A_12 = arith.constant 1048576 : i32
    %mul3A_13 = arith.muli %select_n3A_11, %mul3A_12 : i32
    %add3A_14 = arith.constant 0 : i32
    %add3A_15 = arith.addi %mul3A_13, %add3A_14 : i32
    %dma_start3A = tpu.memref_slice %arg3[%add3A_15] : memref<8388608xf32, #tpu.memory_space<hbm>> -> memref<16384xf32, #tpu.memory_space<hbm>>
    %dma_start3A_16 = tpu.memref_slice %arg3[%add3A_15] : memref<8388608xf32, #tpu.memory_space<hbm>> -> memref<16384xf32, #tpu.memory_space<hbm>>
    tpu.enqueue_dma source(%dma_start3A_16 : memref<16384xf32, #tpu.memory_space<hbm>>) target(%arg5 : memref<16384xf32, #tpu.memory_space<vmem>>) target_semaphore(%arg11 : memref<!tpu.dma_semaphore, #tpu.memory_space<semaphore_mem>>)
    %add3A_17 = arith.constant 0 : i32
    %add3A_18 = arith.addi %mul3A_2, %add3A_17 : i32
    %dma_start3A_19 = tpu.memref_slice %arg2[%add3A_18] : memref<33554432xf32, #tpu.memory_space<hbm>> -> memref<16384xf32, #tpu.memory_space<hbm>>
    %dma_start3A_20 = tpu.memref_slice %arg2[%add3A_18] : memref<33554432xf32, #tpu.memory_space<hbm>> -> memref<16384xf32, #tpu.memory_space<hbm>>
    tpu.enqueue_dma source(%dma_start3A_20 : memref<16384xf32, #tpu.memory_space<hbm>>) target(%arg7 : memref<16384xf32, #tpu.memory_space<vmem>>) target_semaphore(%arg11 : memref<!tpu.dma_semaphore, #tpu.memory_space<semaphore_mem>>)
    %add3A_21 = arith.constant 16384 : i32
    %add3A_22 = arith.addi %mul3A_13, %add3A_21 : i32
    %dma_start3A_23 = tpu.memref_slice %arg3[%add3A_22] : memref<8388608xf32, #tpu.memory_space<hbm>> -> memref<16384xf32, #tpu.memory_space<hbm>>
    %dma_start3A_24 = tpu.memref_slice %arg3[%add3A_22] : memref<8388608xf32, #tpu.memory_space<hbm>> -> memref<16384xf32, #tpu.memory_space<hbm>>
    tpu.enqueue_dma source(%dma_start3A_24 : memref<16384xf32, #tpu.memory_space<hbm>>) target(%arg6 : memref<16384xf32, #tpu.memory_space<vmem>>) target_semaphore(%arg12 : memref<!tpu.dma_semaphore, #tpu.memory_space<semaphore_mem>>)
    %add3A_25 = arith.constant 16384 : i32
    %add3A_26 = arith.addi %mul3A_2, %add3A_25 : i32
    %dma_start3A_27 = tpu.memref_slice %arg2[%add3A_26] : memref<33554432xf32, #tpu.memory_space<hbm>> -> memref<16384xf32, #tpu.memory_space<hbm>>
    %dma_start3A_28 = tpu.memref_slice %arg2[%add3A_26] : memref<33554432xf32, #tpu.memory_space<hbm>> -> memref<16384xf32, #tpu.memory_space<hbm>>
    tpu.enqueue_dma source(%dma_start3A_28 : memref<16384xf32, #tpu.memory_space<hbm>>) target(%arg8 : memref<16384xf32, #tpu.memory_space<vmem>>) target_semaphore(%arg12 : memref<!tpu.dma_semaphore, #tpu.memory_space<semaphore_mem>>)
    %dma_wait3A = arith.constant 0 : i32
    %dma_wait3A_29 = tpu.memref_slice %arg3[%dma_wait3A] : memref<8388608xf32, #tpu.memory_space<hbm>> -> memref<16384xf32, #tpu.memory_space<hbm>>
    %dma_wait3A_30 = arith.constant 0 : i32
    %dma_wait3A_31 = tpu.memref_slice %arg3[%dma_wait3A_30] : memref<8388608xf32, #tpu.memory_space<hbm>> -> memref<16384xf32, #tpu.memory_space<hbm>>
    tpu.wait_dma2 semaphore(%arg11 : memref<!tpu.dma_semaphore, #tpu.memory_space<semaphore_mem>>) src(%dma_wait3A_31 : memref<16384xf32, #tpu.memory_space<hbm>>) dst(%arg5 : memref<16384xf32, #tpu.memory_space<vmem>>)
    %dma_wait3A_32 = arith.constant 0 : i32
    %dma_wait3A_33 = tpu.memref_slice %arg2[%dma_wait3A_32] : memref<33554432xf32, #tpu.memory_space<hbm>> -> memref<16384xf32, #tpu.memory_space<hbm>>
    %dma_wait3A_34 = arith.constant 0 : i32
    %dma_wait3A_35 = tpu.memref_slice %arg2[%dma_wait3A_34] : memref<33554432xf32, #tpu.memory_space<hbm>> -> memref<16384xf32, #tpu.memory_space<hbm>>
    tpu.wait_dma2 semaphore(%arg11 : memref<!tpu.dma_semaphore, #tpu.memory_space<semaphore_mem>>) src(%dma_wait3A_35 : memref<16384xf32, #tpu.memory_space<hbm>>) dst(%arg7 : memref<16384xf32, #tpu.memory_space<vmem>>)
    %parallel_loop3A = arith.constant 0 : i32
    %parallel_loop3A_36 = arith.constant 16384 : i32
    %parallel_loop3A_37 = arith.constant 16 : i32
    scf.for %parallel_loop3A_124 = %parallel_loop3A to %parallel_loop3A_36 step %parallel_loop3A_37  : i32 {
      %parallel_loop3A_125 = arith.index_cast %parallel_loop3A_124 : i32 to index
      %parallel_loop3A_126 = tpu.vector_load %arg7[%parallel_loop3A_125] {strides = array<i32>} : memref<16384xf32, #tpu.memory_space<vmem>>, vector<16xf32>,
      %parallel_loop3A_127 = vector.shape_cast %parallel_loop3A_126 : vector<16xf32> to vector<16xf32>
      %parallel_loop3A_128 = arith.index_cast %parallel_loop3A_124 : i32 to index
      %parallel_loop3A_129 = tpu.vector_load %arg5[%parallel_loop3A_128] {strides = array<i32>} : memref<16384xf32, #tpu.memory_space<vmem>>, vector<16xf32>,
      %parallel_loop3A_130 = vector.shape_cast %parallel_loop3A_129 : vector<16xf32> to vector<16xf32>
      %parallel_loop3A_131 = arith.addf %parallel_loop3A_127, %parallel_loop3A_130 : vector<16xf32>
      %parallel_loop3A_132 = arith.index_cast %parallel_loop3A_124 : i32 to index
      %parallel_loop3A_133 = tpu.vector_load %arg9[%parallel_loop3A_132] {strides = array<i32>} : memref<16384xf32, #tpu.memory_space<vmem>>, vector<16xf32>,
      %parallel_loop3A_134 = vector.shape_cast %parallel_loop3A_133 : vector<16xf32> to vector<16xf32>
      %parallel_loop3A_135 = vector.shape_cast %parallel_loop3A_131 : vector<16xf32> to vector<16xf32>
      tpu.vector_store %arg9[%parallel_loop3A_132], %parallel_loop3A_135 {strides = array<i32>} : memref<16384xf32, #tpu.memory_space<vmem>>, vector<16xf32>,
    } {sc.loop_unroll_factor = 8 : i64, sc.parallel_access}
    %add3A_38 = arith.constant 0 : i32
    %add3A_39 = arith.addi %mul3A_2, %add3A_38 : i32
    %dma_start3A_40 = tpu.memref_slice %arg4[%add3A_39] : memref<33554432xf32, #tpu.memory_space<hbm>> -> memref<16384xf32, #tpu.memory_space<hbm>>
    %dma_start3A_41 = tpu.memref_slice %arg4[%add3A_39] : memref<33554432xf32, #tpu.memory_space<hbm>> -> memref<16384xf32, #tpu.memory_space<hbm>>
    tpu.enqueue_dma source(%arg9 : memref<16384xf32, #tpu.memory_space<vmem>>) target(%dma_start3A_41 : memref<16384xf32, #tpu.memory_space<hbm>>) target_semaphore(%arg13 : memref<!tpu.dma_semaphore, #tpu.memory_space<semaphore_mem>>)
    %add3A_42 = arith.constant 32768 : i32
    %add3A_43 = arith.addi %mul3A_13, %add3A_42 : i32
    %dma_start3A_44 = tpu.memref_slice %arg3[%add3A_43] : memref<8388608xf32, #tpu.memory_space<hbm>> -> memref<16384xf32, #tpu.memory_space<hbm>>
    %dma_start3A_45 = tpu.memref_slice %arg3[%add3A_43] : memref<8388608xf32, #tpu.memory_space<hbm>> -> memref<16384xf32, #tpu.memory_space<hbm>>
    tpu.enqueue_dma source(%dma_start3A_45 : memref<16384xf32, #tpu.memory_space<hbm>>) target(%arg5 : memref<16384xf32, #tpu.memory_space<vmem>>) target_semaphore(%arg11 : memref<!tpu.dma_semaphore, #tpu.memory_space<semaphore_mem>>)
    %add3A_46 = arith.constant 32768 : i32
    %add3A_47 = arith.addi %mul3A_2, %add3A_46 : i32
    %dma_start3A_48 = tpu.memref_slice %arg2[%add3A_47] : memref<33554432xf32, #tpu.memory_space<hbm>> -> memref<16384xf32, #tpu.memory_space<hbm>>
    %dma_start3A_49 = tpu.memref_slice %arg2[%add3A_47] : memref<33554432xf32, #tpu.memory_space<hbm>> -> memref<16384xf32, #tpu.memory_space<hbm>>
    tpu.enqueue_dma source(%dma_start3A_49 : memref<16384xf32, #tpu.memory_space<hbm>>) target(%arg7 : memref<16384xf32, #tpu.memory_space<vmem>>) target_semaphore(%arg11 : memref<!tpu.dma_semaphore, #tpu.memory_space<semaphore_mem>>)
    %dma_wait3A_50 = arith.constant 0 : i32
    %dma_wait3A_51 = tpu.memref_slice %arg3[%dma_wait3A_50] : memref<8388608xf32, #tpu.memory_space<hbm>> -> memref<16384xf32, #tpu.memory_space<hbm>>
    %dma_wait3A_52 = arith.constant 0 : i32
    %dma_wait3A_53 = tpu.memref_slice %arg3[%dma_wait3A_52] : memref<8388608xf32, #tpu.memory_space<hbm>> -> memref<16384xf32, #tpu.memory_space<hbm>>
    tpu.wait_dma2 semaphore(%arg12 : memref<!tpu.dma_semaphore, #tpu.memory_space<semaphore_mem>>) src(%dma_wait3A_53 : memref<16384xf32, #tpu.memory_space<hbm>>) dst(%arg6 : memref<16384xf32, #tpu.memory_space<vmem>>)
    %dma_wait3A_54 = arith.constant 0 : i32
    %dma_wait3A_55 = tpu.memref_slice %arg2[%dma_wait3A_54] : memref<33554432xf32, #tpu.memory_space<hbm>> -> memref<16384xf32, #tpu.memory_space<hbm>>
    %dma_wait3A_56 = arith.constant 0 : i32
    %dma_wait3A_57 = tpu.memref_slice %arg2[%dma_wait3A_56] : memref<33554432xf32, #tpu.memory_space<hbm>> -> memref<16384xf32, #tpu.memory_space<hbm>>
    tpu.wait_dma2 semaphore(%arg12 : memref<!tpu.dma_semaphore, #tpu.memory_space<semaphore_mem>>) src(%dma_wait3A_57 : memref<16384xf32, #tpu.memory_space<hbm>>) dst(%arg8 : memref<16384xf32, #tpu.memory_space<vmem>>)
    %parallel_loop3A_58 = arith.constant 0 : i32
    %parallel_loop3A_59 = arith.constant 16384 : i32
    %parallel_loop3A_60 = arith.constant 16 : i32
    scf.for %parallel_loop3A_124 = %parallel_loop3A_58 to %parallel_loop3A_59 step %parallel_loop3A_60  : i32 {
      %parallel_loop3A_125 = arith.index_cast %parallel_loop3A_124 : i32 to index
      %parallel_loop3A_126 = tpu.vector_load %arg8[%parallel_loop3A_125] {strides = array<i32>} : memref<16384xf32, #tpu.memory_space<vmem>>, vector<16xf32>,
      %parallel_loop3A_127 = vector.shape_cast %parallel_loop3A_126 : vector<16xf32> to vector<16xf32>
      %parallel_loop3A_128 = arith.index_cast %parallel_loop3A_124 : i32 to index
      %parallel_loop3A_129 = tpu.vector_load %arg6[%parallel_loop3A_128] {strides = array<i32>} : memref<16384xf32, #tpu.memory_space<vmem>>, vector<16xf32>,
      %parallel_loop3A_130 = vector.shape_cast %parallel_loop3A_129 : vector<16xf32> to vector<16xf32>
      %parallel_loop3A_131 = arith.addf %parallel_loop3A_127, %parallel_loop3A_130 : vector<16xf32>
      %parallel_loop3A_132 = arith.index_cast %parallel_loop3A_124 : i32 to index
      %parallel_loop3A_133 = tpu.vector_load %arg10[%parallel_loop3A_132] {strides = array<i32>} : memref<16384xf32, #tpu.memory_space<vmem>>, vector<16xf32>,
      %parallel_loop3A_134 = vector.shape_cast %parallel_loop3A_133 : vector<16xf32> to vector<16xf32>
      %parallel_loop3A_135 = vector.shape_cast %parallel_loop3A_131 : vector<16xf32> to vector<16xf32>
      tpu.vector_store %arg10[%parallel_loop3A_132], %parallel_loop3A_135 {strides = array<i32>} : memref<16384xf32, #tpu.memory_space<vmem>>, vector<16xf32>,
    } {sc.loop_unroll_factor = 8 : i64, sc.parallel_access}
    %add3A_61 = arith.constant 16384 : i32
    %add3A_62 = arith.addi %mul3A_2, %add3A_61 : i32
    %dma_start3A_63 = tpu.memref_slice %arg4[%add3A_62] : memref<33554432xf32, #tpu.memory_space<hbm>> -> memref<16384xf32, #tpu.memory_space<hbm>>
    %dma_start3A_64 = tpu.memref_slice %arg4[%add3A_62] : memref<33554432xf32, #tpu.memory_space<hbm>> -> memref<16384xf32, #tpu.memory_space<hbm>>
    tpu.enqueue_dma source(%arg10 : memref<16384xf32, #tpu.memory_space<vmem>>) target(%dma_start3A_64 : memref<16384xf32, #tpu.memory_space<hbm>>) target_semaphore(%arg14 : memref<!tpu.dma_semaphore, #tpu.memory_space<semaphore_mem>>)
    %add3A_65 = arith.constant 49152 : i32
    %add3A_66 = arith.addi %mul3A_13, %add3A_65 : i32
    %dma_start3A_67 = tpu.memref_slice %arg3[%add3A_66] : memref<8388608xf32, #tpu.memory_space<hbm>> -> memref<16384xf32, #tpu.memory_space<hbm>>
    %dma_start3A_68 = tpu.memref_slice %arg3[%add3A_66] : memref<8388608xf32, #tpu.memory_space<hbm>> -> memref<16384xf32, #tpu.memory_space<hbm>>
    tpu.enqueue_dma source(%dma_start3A_68 : memref<16384xf32, #tpu.memory_space<hbm>>) target(%arg6 : memref<16384xf32, #tpu.memory_space<vmem>>) target_semaphore(%arg12 : memref<!tpu.dma_semaphore, #tpu.memory_space<semaphore_mem>>)
    %add3A_69 = arith.constant 49152 : i32
    %add3A_70 = arith.addi %mul3A_2, %add3A_69 : i32
    %dma_start3A_71 = tpu.memref_slice %arg2[%add3A_70] : memref<33554432xf32, #tpu.memory_space<hbm>> -> memref<16384xf32, #tpu.memory_space<hbm>>
    %dma_start3A_72 = tpu.memref_slice %arg2[%add3A_70] : memref<33554432xf32, #tpu.memory_space<hbm>> -> memref<16384xf32, #tpu.memory_space<hbm>>
    tpu.enqueue_dma source(%dma_start3A_72 : memref<16384xf32, #tpu.memory_space<hbm>>) target(%arg8 : memref<16384xf32, #tpu.memory_space<vmem>>) target_semaphore(%arg12 : memref<!tpu.dma_semaphore, #tpu.memory_space<semaphore_mem>>)
    %scan3A = arith.constant 0 : i32
    %scan3A_73 = arith.constant 1 : i32
    %scan3A_74 = arith.constant 30 : i32
    %scan3A_75 = arith.addi %scan3A_73, %scan3A_74 : i32
    %scan3A_76 = arith.constant 1 : i32
    scf.for %scan3A_124 = %scan3A_73 to %scan3A_75 step %scan3A_76  : i32 {
      %mul3A_125 = arith.constant 2 : i32
      %mul3A_126 = arith.muli %scan3A_124, %mul3A_125 : i32
      %add3A_127 = arith.constant 0 : i32
      %add3A_128 = arith.addi %mul3A_126, %add3A_127 : i32
      %dma_wait3A_129 = arith.constant 0 : i32
      %dma_wait3A_130 = tpu.memref_slice %arg3[%dma_wait3A_129] : memref<8388608xf32, #tpu.memory_space<hbm>> -> memref<16384xf32, #tpu.memory_space<hbm>>
      %dma_wait3A_131 = arith.constant 0 : i32
      %dma_wait3A_132 = tpu.memref_slice %arg3[%dma_wait3A_131] : memref<8388608xf32, #tpu.memory_space<hbm>> -> memref<16384xf32, #tpu.memory_space<hbm>>
      tpu.wait_dma2 semaphore(%arg11 : memref<!tpu.dma_semaphore, #tpu.memory_space<semaphore_mem>>) src(%dma_wait3A_132 : memref<16384xf32, #tpu.memory_space<hbm>>) dst(%arg5 : memref<16384xf32, #tpu.memory_space<vmem>>)
      %dma_wait3A_133 = arith.constant 0 : i32
      %dma_wait3A_134 = tpu.memref_slice %arg2[%dma_wait3A_133] : memref<33554432xf32, #tpu.memory_space<hbm>> -> memref<16384xf32, #tpu.memory_space<hbm>>
      %dma_wait3A_135 = arith.constant 0 : i32
      %dma_wait3A_136 = tpu.memref_slice %arg2[%dma_wait3A_135] : memref<33554432xf32, #tpu.memory_space<hbm>> -> memref<16384xf32, #tpu.memory_space<hbm>>
      tpu.wait_dma2 semaphore(%arg11 : memref<!tpu.dma_semaphore, #tpu.memory_space<semaphore_mem>>) src(%dma_wait3A_136 : memref<16384xf32, #tpu.memory_space<hbm>>) dst(%arg7 : memref<16384xf32, #tpu.memory_space<vmem>>)
      %dma_wait3A_137 = arith.constant 0 : i32
      %dma_wait3A_138 = tpu.memref_slice %arg4[%dma_wait3A_137] : memref<33554432xf32, #tpu.memory_space<hbm>> -> memref<16384xf32, #tpu.memory_space<hbm>>
      %dma_wait3A_139 = arith.constant 0 : i32
      %dma_wait3A_140 = tpu.memref_slice %arg4[%dma_wait3A_139] : memref<33554432xf32, #tpu.memory_space<hbm>> -> memref<16384xf32, #tpu.memory_space<hbm>>
      tpu.wait_dma2 semaphore(%arg13 : memref<!tpu.dma_semaphore, #tpu.memory_space<semaphore_mem>>) src(%arg9 : memref<16384xf32, #tpu.memory_space<vmem>>) dst(%dma_wait3A_140 : memref<16384xf32, #tpu.memory_space<hbm>>)
      %parallel_loop3A_141 = arith.constant 0 : i32
      %parallel_loop3A_142 = arith.constant 16384 : i32
      %parallel_loop3A_143 = arith.constant 16 : i32
      scf.for %parallel_loop3A_193 = %parallel_loop3A_141 to %parallel_loop3A_142 step %parallel_loop3A_143  : i32 {
        %parallel_loop3A_194 = arith.index_cast %parallel_loop3A_193 : i32 to index
        %parallel_loop3A_195 = tpu.vector_load %arg7[%parallel_loop3A_194] {strides = array<i32>} : memref<16384xf32, #tpu.memory_space<vmem>>, vector<16xf32>,
        %parallel_loop3A_196 = vector.shape_cast %parallel_loop3A_195 : vector<16xf32> to vector<16xf32>
        %parallel_loop3A_197 = arith.index_cast %parallel_loop3A_193 : i32 to index
        %parallel_loop3A_198 = tpu.vector_load %arg5[%parallel_loop3A_197] {strides = array<i32>} : memref<16384xf32, #tpu.memory_space<vmem>>, vector<16xf32>,
        %parallel_loop3A_199 = vector.shape_cast %parallel_loop3A_198 : vector<16xf32> to vector<16xf32>
        %parallel_loop3A_200 = arith.addf %parallel_loop3A_196, %parallel_loop3A_199 : vector<16xf32>
        %parallel_loop3A_201 = arith.index_cast %parallel_loop3A_193 : i32 to index
        %parallel_loop3A_202 = tpu.vector_load %arg9[%parallel_loop3A_201] {strides = array<i32>} : memref<16384xf32, #tpu.memory_space<vmem>>, vector<16xf32>,
        %parallel_loop3A_203 = vector.shape_cast %parallel_loop3A_202 : vector<16xf32> to vector<16xf32>
        %parallel_loop3A_204 = vector.shape_cast %parallel_loop3A_200 : vector<16xf32> to vector<16xf32>
        tpu.vector_store %arg9[%parallel_loop3A_201], %parallel_loop3A_204 {strides = array<i32>} : memref<16384xf32, #tpu.memory_space<vmem>>, vector<16xf32>,
      } {sc.loop_unroll_factor = 8 : i64, sc.parallel_access}
      %mul3A_144 = arith.constant 16384 : i32
      %mul3A_145 = arith.muli %add3A_128, %mul3A_144 : i32
      %add3A_146 = arith.addi %mul3A_2, %mul3A_145 : i32
      %dma_start3A_147 = tpu.memref_slice %arg4[%add3A_146] : memref<33554432xf32, #tpu.memory_space<hbm>> -> memref<16384xf32, #tpu.memory_space<hbm>>
      %dma_start3A_148 = tpu.memref_slice %arg4[%add3A_146] : memref<33554432xf32, #tpu.memory_space<hbm>> -> memref<16384xf32, #tpu.memory_space<hbm>>
      tpu.enqueue_dma source(%arg9 : memref<16384xf32, #tpu.memory_space<vmem>>) target(%dma_start3A_148 : memref<16384xf32, #tpu.memory_space<hbm>>) target_semaphore(%arg13 : memref<!tpu.dma_semaphore, #tpu.memory_space<semaphore_mem>>)
      %add3A_149 = arith.constant 2 : i32
      %add3A_150 = arith.addi %add3A_128, %add3A_149 : i32
      %mul3A_151 = arith.constant 16384 : i32
      %mul3A_152 = arith.muli %add3A_150, %mul3A_151 : i32
      %add3A_153 = arith.addi %mul3A_13, %mul3A_152 : i32
      %dma_start3A_154 = tpu.memref_slice %arg3[%add3A_153] : memref<8388608xf32, #tpu.memory_space<hbm>> -> memref<16384xf32, #tpu.memory_space<hbm>>
      %dma_start3A_155 = tpu.memref_slice %arg3[%add3A_153] : memref<8388608xf32, #tpu.memory_space<hbm>> -> memref<16384xf32, #tpu.memory_space<hbm>>
      tpu.enqueue_dma source(%dma_start3A_155 : memref<16384xf32, #tpu.memory_space<hbm>>) target(%arg5 : memref<16384xf32, #tpu.memory_space<vmem>>) target_semaphore(%arg11 : memref<!tpu.dma_semaphore, #tpu.memory_space<semaphore_mem>>)
      %add3A_156 = arith.addi %mul3A_2, %mul3A_152 : i32
      %dma_start3A_157 = tpu.memref_slice %arg2[%add3A_156] : memref<33554432xf32, #tpu.memory_space<hbm>> -> memref<16384xf32, #tpu.memory_space<hbm>>
      %dma_start3A_158 = tpu.memref_slice %arg2[%add3A_156] : memref<33554432xf32, #tpu.memory_space<hbm>> -> memref<16384xf32, #tpu.memory_space<hbm>>
      tpu.enqueue_dma source(%dma_start3A_158 : memref<16384xf32, #tpu.memory_space<hbm>>) target(%arg7 : memref<16384xf32, #tpu.memory_space<vmem>>) target_semaphore(%arg11 : memref<!tpu.dma_semaphore, #tpu.memory_space<semaphore_mem>>)
      %mul3A_159 = arith.constant 2 : i32
      %mul3A_160 = arith.muli %scan3A_124, %mul3A_159 : i32
      %add3A_161 = arith.constant 1 : i32
      %add3A_162 = arith.addi %mul3A_160, %add3A_161 : i32
      %dma_wait3A_163 = arith.constant 0 : i32
      %dma_wait3A_164 = tpu.memref_slice %arg3[%dma_wait3A_163] : memref<8388608xf32, #tpu.memory_space<hbm>> -> memref<16384xf32, #tpu.memory_space<hbm>>
      %dma_wait3A_165 = arith.constant 0 : i32
      %dma_wait3A_166 = tpu.memref_slice %arg3[%dma_wait3A_165] : memref<8388608xf32, #tpu.memory_space<hbm>> -> memref<16384xf32, #tpu.memory_space<hbm>>
      tpu.wait_dma2 semaphore(%arg12 : memref<!tpu.dma_semaphore, #tpu.memory_space<semaphore_mem>>) src(%dma_wait3A_166 : memref<16384xf32, #tpu.memory_space<hbm>>) dst(%arg6 : memref<16384xf32, #tpu.memory_space<vmem>>)
      %dma_wait3A_167 = arith.constant 0 : i32
      %dma_wait3A_168 = tpu.memref_slice %arg2[%dma_wait3A_167] : memref<33554432xf32, #tpu.memory_space<hbm>> -> memref<16384xf32, #tpu.memory_space<hbm>>
      %dma_wait3A_169 = arith.constant 0 : i32
      %dma_wait3A_170 = tpu.memref_slice %arg2[%dma_wait3A_169] : memref<33554432xf32, #tpu.memory_space<hbm>> -> memref<16384xf32, #tpu.memory_space<hbm>>
      tpu.wait_dma2 semaphore(%arg12 : memref<!tpu.dma_semaphore, #tpu.memory_space<semaphore_mem>>) src(%dma_wait3A_170 : memref<16384xf32, #tpu.memory_space<hbm>>) dst(%arg8 : memref<16384xf32, #tpu.memory_space<vmem>>)
      %dma_wait3A_171 = arith.constant 0 : i32
      %dma_wait3A_172 = tpu.memref_slice %arg4[%dma_wait3A_171] : memref<33554432xf32, #tpu.memory_space<hbm>> -> memref<16384xf32, #tpu.memory_space<hbm>>
      %dma_wait3A_173 = arith.constant 0 : i32
      %dma_wait3A_174 = tpu.memref_slice %arg4[%dma_wait3A_173] : memref<33554432xf32, #tpu.memory_space<hbm>> -> memref<16384xf32, #tpu.memory_space<hbm>>
      tpu.wait_dma2 semaphore(%arg14 : memref<!tpu.dma_semaphore, #tpu.memory_space<semaphore_mem>>) src(%arg10 : memref<16384xf32, #tpu.memory_space<vmem>>) dst(%dma_wait3A_174 : memref<16384xf32, #tpu.memory_space<hbm>>)
      %parallel_loop3A_175 = arith.constant 0 : i32
      %parallel_loop3A_176 = arith.constant 16384 : i32
      %parallel_loop3A_177 = arith.constant 16 : i32
      scf.for %parallel_loop3A_193 = %parallel_loop3A_175 to %parallel_loop3A_176 step %parallel_loop3A_177  : i32 {
        %parallel_loop3A_194 = arith.index_cast %parallel_loop3A_193 : i32 to index
        %parallel_loop3A_195 = tpu.vector_load %arg8[%parallel_loop3A_194] {strides = array<i32>} : memref<16384xf32, #tpu.memory_space<vmem>>, vector<16xf32>,
        %parallel_loop3A_196 = vector.shape_cast %parallel_loop3A_195 : vector<16xf32> to vector<16xf32>
        %parallel_loop3A_197 = arith.index_cast %parallel_loop3A_193 : i32 to index
        %parallel_loop3A_198 = tpu.vector_load %arg6[%parallel_loop3A_197] {strides = array<i32>} : memref<16384xf32, #tpu.memory_space<vmem>>, vector<16xf32>,
        %parallel_loop3A_199 = vector.shape_cast %parallel_loop3A_198 : vector<16xf32> to vector<16xf32>
        %parallel_loop3A_200 = arith.addf %parallel_loop3A_196, %parallel_loop3A_199 : vector<16xf32>
        %parallel_loop3A_201 = arith.index_cast %parallel_loop3A_193 : i32 to index
        %parallel_loop3A_202 = tpu.vector_load %arg10[%parallel_loop3A_201] {strides = array<i32>} : memref<16384xf32, #tpu.memory_space<vmem>>, vector<16xf32>,
        %parallel_loop3A_203 = vector.shape_cast %parallel_loop3A_202 : vector<16xf32> to vector<16xf32>
        %parallel_loop3A_204 = vector.shape_cast %parallel_loop3A_200 : vector<16xf32> to vector<16xf32>
        tpu.vector_store %arg10[%parallel_loop3A_201], %parallel_loop3A_204 {strides = array<i32>} : memref<16384xf32, #tpu.memory_space<vmem>>, vector<16xf32>,
      } {sc.loop_unroll_factor = 8 : i64, sc.parallel_access}
      %mul3A_178 = arith.constant 16384 : i32
      %mul3A_179 = arith.muli %add3A_162, %mul3A_178 : i32
      %add3A_180 = arith.addi %mul3A_2, %mul3A_179 : i32
      %dma_start3A_181 = tpu.memref_slice %arg4[%add3A_180] : memref<33554432xf32, #tpu.memory_space<hbm>> -> memref<16384xf32, #tpu.memory_space<hbm>>
      %dma_start3A_182 = tpu.memref_slice %arg4[%add3A_180] : memref<33554432xf32, #tpu.memory_space<hbm>> -> memref<16384xf32, #tpu.memory_space<hbm>>
      tpu.enqueue_dma source(%arg10 : memref<16384xf32, #tpu.memory_space<vmem>>) target(%dma_start3A_182 : memref<16384xf32, #tpu.memory_space<hbm>>) target_semaphore(%arg14 : memref<!tpu.dma_semaphore, #tpu.memory_space<semaphore_mem>>)
      %add3A_183 = arith.constant 2 : i32
      %add3A_184 = arith.addi %add3A_162, %add3A_183 : i32
      %mul3A_185 = arith.constant 16384 : i32
      %mul3A_186 = arith.muli %add3A_184, %mul3A_185 : i32
      %add3A_187 = arith.addi %mul3A_13, %mul3A_186 : i32
      %dma_start3A_188 = tpu.memref_slice %arg3[%add3A_187] : memref<8388608xf32, #tpu.memory_space<hbm>> -> memref<16384xf32, #tpu.memory_space<hbm>>
      %dma_start3A_189 = tpu.memref_slice %arg3[%add3A_187] : memref<8388608xf32, #tpu.memory_space<hbm>> -> memref<16384xf32, #tpu.memory_space<hbm>>
      tpu.enqueue_dma source(%dma_start3A_189 : memref<16384xf32, #tpu.memory_space<hbm>>) target(%arg6 : memref<16384xf32, #tpu.memory_space<vmem>>) target_semaphore(%arg12 : memref<!tpu.dma_semaphore, #tpu.memory_space<semaphore_mem>>)
      %add3A_190 = arith.addi %mul3A_2, %mul3A_186 : i32
      %dma_start3A_191 = tpu.memref_slice %arg2[%add3A_190] : memref<33554432xf32, #tpu.memory_space<hbm>> -> memref<16384xf32, #tpu.memory_space<hbm>>
      %dma_start3A_192 = tpu.memref_slice %arg2[%add3A_190] : memref<33554432xf32, #tpu.memory_space<hbm>> -> memref<16384xf32, #tpu.memory_space<hbm>>
      tpu.enqueue_dma source(%dma_start3A_192 : memref<16384xf32, #tpu.memory_space<hbm>>) target(%arg8 : memref<16384xf32, #tpu.memory_space<vmem>>) target_semaphore(%arg12 : memref<!tpu.dma_semaphore, #tpu.memory_space<semaphore_mem>>)
    }
    %scan3A_77 = arith.constant 30 : i32
    %dma_wait3A_78 = arith.constant 0 : i32
    %dma_wait3A_79 = tpu.memref_slice %arg3[%dma_wait3A_78] : memref<8388608xf32, #tpu.memory_space<hbm>> -> memref<16384xf32, #tpu.memory_space<hbm>>
    %dma_wait3A_80 = arith.constant 0 : i32
    %dma_wait3A_81 = tpu.memref_slice %arg3[%dma_wait3A_80] : memref<8388608xf32, #tpu.memory_space<hbm>> -> memref<16384xf32, #tpu.memory_space<hbm>>
    tpu.wait_dma2 semaphore(%arg11 : memref<!tpu.dma_semaphore, #tpu.memory_space<semaphore_mem>>) src(%dma_wait3A_81 : memref<16384xf32, #tpu.memory_space<hbm>>) dst(%arg5 : memref<16384xf32, #tpu.memory_space<vmem>>)
    %dma_wait3A_82 = arith.constant 0 : i32
    %dma_wait3A_83 = tpu.memref_slice %arg2[%dma_wait3A_82] : memref<33554432xf32, #tpu.memory_space<hbm>> -> memref<16384xf32, #tpu.memory_space<hbm>>
    %dma_wait3A_84 = arith.constant 0 : i32
    %dma_wait3A_85 = tpu.memref_slice %arg2[%dma_wait3A_84] : memref<33554432xf32, #tpu.memory_space<hbm>> -> memref<16384xf32, #tpu.memory_space<hbm>>
    tpu.wait_dma2 semaphore(%arg11 : memref<!tpu.dma_semaphore, #tpu.memory_space<semaphore_mem>>) src(%dma_wait3A_85 : memref<16384xf32, #tpu.memory_space<hbm>>) dst(%arg7 : memref<16384xf32, #tpu.memory_space<vmem>>)
    %dma_wait3A_86 = arith.constant 0 : i32
    %dma_wait3A_87 = tpu.memref_slice %arg4[%dma_wait3A_86] : memref<33554432xf32, #tpu.memory_space<hbm>> -> memref<16384xf32, #tpu.memory_space<hbm>>
    %dma_wait3A_88 = arith.constant 0 : i32
    %dma_wait3A_89 = tpu.memref_slice %arg4[%dma_wait3A_88] : memref<33554432xf32, #tpu.memory_space<hbm>> -> memref<16384xf32, #tpu.memory_space<hbm>>
    tpu.wait_dma2 semaphore(%arg13 : memref<!tpu.dma_semaphore, #tpu.memory_space<semaphore_mem>>) src(%arg9 : memref<16384xf32, #tpu.memory_space<vmem>>) dst(%dma_wait3A_89 : memref<16384xf32, #tpu.memory_space<hbm>>)
    %parallel_loop3A_90 = arith.constant 0 : i32
    %parallel_loop3A_91 = arith.constant 16384 : i32
    %parallel_loop3A_92 = arith.constant 16 : i32
    scf.for %parallel_loop3A_124 = %parallel_loop3A_90 to %parallel_loop3A_91 step %parallel_loop3A_92  : i32 {
      %parallel_loop3A_125 = arith.index_cast %parallel_loop3A_124 : i32 to index
      %parallel_loop3A_126 = tpu.vector_load %arg7[%parallel_loop3A_125] {strides = array<i32>} : memref<16384xf32, #tpu.memory_space<vmem>>, vector<16xf32>,
      %parallel_loop3A_127 = vector.shape_cast %parallel_loop3A_126 : vector<16xf32> to vector<16xf32>
      %parallel_loop3A_128 = arith.index_cast %parallel_loop3A_124 : i32 to index
      %parallel_loop3A_129 = tpu.vector_load %arg5[%parallel_loop3A_128] {strides = array<i32>} : memref<16384xf32, #tpu.memory_space<vmem>>, vector<16xf32>,
      %parallel_loop3A_130 = vector.shape_cast %parallel_loop3A_129 : vector<16xf32> to vector<16xf32>
      %parallel_loop3A_131 = arith.addf %parallel_loop3A_127, %parallel_loop3A_130 : vector<16xf32>
      %parallel_loop3A_132 = arith.index_cast %parallel_loop3A_124 : i32 to index
      %parallel_loop3A_133 = tpu.vector_load %arg9[%parallel_loop3A_132] {strides = array<i32>} : memref<16384xf32, #tpu.memory_space<vmem>>, vector<16xf32>,
      %parallel_loop3A_134 = vector.shape_cast %parallel_loop3A_133 : vector<16xf32> to vector<16xf32>
      %parallel_loop3A_135 = vector.shape_cast %parallel_loop3A_131 : vector<16xf32> to vector<16xf32>
      tpu.vector_store %arg9[%parallel_loop3A_132], %parallel_loop3A_135 {strides = array<i32>} : memref<16384xf32, #tpu.memory_space<vmem>>, vector<16xf32>,
    } {sc.loop_unroll_factor = 8 : i64, sc.parallel_access}
    %add3A_93 = arith.constant 1015808 : i32
    %add3A_94 = arith.addi %mul3A_2, %add3A_93 : i32
    %dma_start3A_95 = tpu.memref_slice %arg4[%add3A_94] : memref<33554432xf32, #tpu.memory_space<hbm>> -> memref<16384xf32, #tpu.memory_space<hbm>>
    %dma_start3A_96 = tpu.memref_slice %arg4[%add3A_94] : memref<33554432xf32, #tpu.memory_space<hbm>> -> memref<16384xf32, #tpu.memory_space<hbm>>
    tpu.enqueue_dma source(%arg9 : memref<16384xf32, #tpu.memory_space<vmem>>) target(%dma_start3A_96 : memref<16384xf32, #tpu.memory_space<hbm>>) target_semaphore(%arg13 : memref<!tpu.dma_semaphore, #tpu.memory_space<semaphore_mem>>)
    %dma_wait3A_97 = arith.constant 0 : i32
    %dma_wait3A_98 = tpu.memref_slice %arg3[%dma_wait3A_97] : memref<8388608xf32, #tpu.memory_space<hbm>> -> memref<16384xf32, #tpu.memory_space<hbm>>
    %dma_wait3A_99 = arith.constant 0 : i32
    %dma_wait3A_100 = tpu.memref_slice %arg3[%dma_wait3A_99] : memref<8388608xf32, #tpu.memory_space<hbm>> -> memref<16384xf32, #tpu.memory_space<hbm>>
    tpu.wait_dma2 semaphore(%arg12 : memref<!tpu.dma_semaphore, #tpu.memory_space<semaphore_mem>>) src(%dma_wait3A_100 : memref<16384xf32, #tpu.memory_space<hbm>>) dst(%arg6 : memref<16384xf32, #tpu.memory_space<vmem>>)
    %dma_wait3A_101 = arith.constant 0 : i32
    %dma_wait3A_102 = tpu.memref_slice %arg2[%dma_wait3A_101] : memref<33554432xf32, #tpu.memory_space<hbm>> -> memref<16384xf32, #tpu.memory_space<hbm>>
    %dma_wait3A_103 = arith.constant 0 : i32
    %dma_wait3A_104 = tpu.memref_slice %arg2[%dma_wait3A_103] : memref<33554432xf32, #tpu.memory_space<hbm>> -> memref<16384xf32, #tpu.memory_space<hbm>>
    tpu.wait_dma2 semaphore(%arg12 : memref<!tpu.dma_semaphore, #tpu.memory_space<semaphore_mem>>) src(%dma_wait3A_104 : memref<16384xf32, #tpu.memory_space<hbm>>) dst(%arg8 : memref<16384xf32, #tpu.memory_space<vmem>>)
    %dma_wait3A_105 = arith.constant 0 : i32
    %dma_wait3A_106 = tpu.memref_slice %arg4[%dma_wait3A_105] : memref<33554432xf32, #tpu.memory_space<hbm>> -> memref<16384xf32, #tpu.memory_space<hbm>>
    %dma_wait3A_107 = arith.constant 0 : i32
    %dma_wait3A_108 = tpu.memref_slice %arg4[%dma_wait3A_107] : memref<33554432xf32, #tpu.memory_space<hbm>> -> memref<16384xf32, #tpu.memory_space<hbm>>
    tpu.wait_dma2 semaphore(%arg14 : memref<!tpu.dma_semaphore, #tpu.memory_space<semaphore_mem>>) src(%arg10 : memref<16384xf32, #tpu.memory_space<vmem>>) dst(%dma_wait3A_108 : memref<16384xf32, #tpu.memory_space<hbm>>)
    %parallel_loop3A_109 = arith.constant 0 : i32
    %parallel_loop3A_110 = arith.constant 16384 : i32
    %parallel_loop3A_111 = arith.constant 16 : i32
    scf.for %parallel_loop3A_124 = %parallel_loop3A_109 to %parallel_loop3A_110 step %parallel_loop3A_111  : i32 {
      %parallel_loop3A_125 = arith.index_cast %parallel_loop3A_124 : i32 to index
      %parallel_loop3A_126 = tpu.vector_load %arg8[%parallel_loop3A_125] {strides = array<i32>} : memref<16384xf32, #tpu.memory_space<vmem>>, vector<16xf32>,
      %parallel_loop3A_127 = vector.shape_cast %parallel_loop3A_126 : vector<16xf32> to vector<16xf32>
      %parallel_loop3A_128 = arith.index_cast %parallel_loop3A_124 : i32 to index
      %parallel_loop3A_129 = tpu.vector_load %arg6[%parallel_loop3A_128] {strides = array<i32>} : memref<16384xf32, #tpu.memory_space<vmem>>, vector<16xf32>,
      %parallel_loop3A_130 = vector.shape_cast %parallel_loop3A_129 : vector<16xf32> to vector<16xf32>
      %parallel_loop3A_131 = arith.addf %parallel_loop3A_127, %parallel_loop3A_130 : vector<16xf32>
      %parallel_loop3A_132 = arith.index_cast %parallel_loop3A_124 : i32 to index
      %parallel_loop3A_133 = tpu.vector_load %arg10[%parallel_loop3A_132] {strides = array<i32>} : memref<16384xf32, #tpu.memory_space<vmem>>, vector<16xf32>,
      %parallel_loop3A_134 = vector.shape_cast %parallel_loop3A_133 : vector<16xf32> to vector<16xf32>
      %parallel_loop3A_135 = vector.shape_cast %parallel_loop3A_131 : vector<16xf32> to vector<16xf32>
      tpu.vector_store %arg10[%parallel_loop3A_132], %parallel_loop3A_135 {strides = array<i32>} : memref<16384xf32, #tpu.memory_space<vmem>>, vector<16xf32>,
    } {sc.loop_unroll_factor = 8 : i64, sc.parallel_access}
    %add3A_112 = arith.constant 1032192 : i32
    %add3A_113 = arith.addi %mul3A_2, %add3A_112 : i32
    %dma_start3A_114 = tpu.memref_slice %arg4[%add3A_113] : memref<33554432xf32, #tpu.memory_space<hbm>> -> memref<16384xf32, #tpu.memory_space<hbm>>
    %dma_start3A_115 = tpu.memref_slice %arg4[%add3A_113] : memref<33554432xf32, #tpu.memory_space<hbm>> -> memref<16384xf32, #tpu.memory_space<hbm>>
    tpu.enqueue_dma source(%arg10 : memref<16384xf32, #tpu.memory_space<vmem>>) target(%dma_start3A_115 : memref<16384xf32, #tpu.memory_space<hbm>>) target_semaphore(%arg14 : memref<!tpu.dma_semaphore, #tpu.memory_space<semaphore_mem>>)
    %dma_wait3A_116 = arith.constant 0 : i32
    %dma_wait3A_117 = tpu.memref_slice %arg4[%dma_wait3A_116] : memref<33554432xf32, #tpu.memory_space<hbm>> -> memref<16384xf32, #tpu.memory_space<hbm>>
    %dma_wait3A_118 = arith.constant 0 : i32
    %dma_wait3A_119 = tpu.memref_slice %arg4[%dma_wait3A_118] : memref<33554432xf32, #tpu.memory_space<hbm>> -> memref<16384xf32, #tpu.memory_space<hbm>>
    tpu.wait_dma2 semaphore(%arg13 : memref<!tpu.dma_semaphore, #tpu.memory_space<semaphore_mem>>) src(%arg9 : memref<16384xf32, #tpu.memory_space<vmem>>) dst(%dma_wait3A_119 : memref<16384xf32, #tpu.memory_space<hbm>>)
    %dma_wait3A_120 = arith.constant 0 : i32
    %dma_wait3A_121 = tpu.memref_slice %arg4[%dma_wait3A_120] : memref<33554432xf32, #tpu.memory_space<hbm>> -> memref<16384xf32, #tpu.memory_space<hbm>>
    %dma_wait3A_122 = arith.constant 0 : i32
    %dma_wait3A_123 = tpu.memref_slice %arg4[%dma_wait3A_122] : memref<33554432xf32, #tpu.memory_space<hbm>> -> memref<16384xf32, #tpu.memory_space<hbm>>
    tpu.wait_dma2 semaphore(%arg14 : memref<!tpu.dma_semaphore, #tpu.memory_space<semaphore_mem>>) src(%arg10 : memref<16384xf32, #tpu.memory_space<vmem>>) dst(%dma_wait3A_123 : memref<16384xf32, #tpu.memory_space<hbm>>)
    return
  }
}

</mosaic_0001>

<sc_bundles>
// kernel: kernel.3.cloned.1.call-start
scs
__scs_entry_jumppad:
0x0: {  	(pc) =	sbr.rel $0x88, $3  }
0x1: {  	(tag) =	ssettag $0x0;
	lr =	simm.s32 $0x1  }
0x2: {  	[smem:$0x3F9F] =	sst lr;
	_ =	strace $0xD0000000  }
0x3: {  	_ = 	snop  }
0x4: {  	_ = 	snop  }
0x5: {  	_ = 	snop  }
0x6: {  	_ = 	snop  }
0x7: {  	_ = 	snop  }
__scs_overlays_trampoline_lowered:
0x8: {  	[smem:$0x3FAE] =	sst s0  }
0x9: {  	[smem:$0x3FAF] =	sst s1  }
0xa: {  	[smem:$0x3FB0] =	sst s2  }
0xb: {  	[smem:$0x3FB1] =	sst s3  }
0xc: {  	[smem:$0x3FB2] =	sst s4  }
0xd: {  	[smem:$0x3FB3] =	sst s5  }
0xe: {  	[smem:$0x3FB4] =	sst s6  }
0xf: {  	[smem:$0x3FB5] =	sst s7  }
0x10: {  	[smem:$0x3FB6] =	sst s8  }
0x11: {  	[smem:$0x3FB7] =	sst s9;
	s0 =	simm.s32 @!p0 $0x0  }
0x12: {  	s1 =	sld [smem:$0x3F9D];
	s0 =	simm.s32 @p0 $0x1  }
0x13: {  	[smem:$0x3FB8] =	sst s0;
	s0 =	simm.s32 @!p1 $0x0  }
0x14: {  	s2 =	sld [smem:$0x3F9C];
	s0 =	simm.s32 @p1 $0x1  }
0x15: {  	[smem:$0x3FB9] =	sst s0;
	s0 =	simm.s32 @!p2 $0x0  }
0x16: {  	s3 =	sld [smem:$0x3FDB];
	s0 =	simm.s32 @p2 $0x1  }
0x17: {  	s4 =	simm.s32 $0x1BF5;
	[smem:$0x3FBB] =	sst s0  }
0x18: {  	s0 =	sld [smem:$0x3F9E];
	_ =	swait.ge [sflag:s4], $0x0  }
0x19: {  	s7 =	sld [smem:$0x3F9F]  }
0x1a: {  	s8 =	sadd.s32 $0xFFFFE003, lr  }
0x1b: {  	s9 =	sadd.s32 $0xFFFFFEF7, lr;
	s5 =	simm.s32 $0xFFFFFFFF;
	p2 =	slt.u32 s8, $0xFFFFF086  }
0x1c: {  	p1 =	slt.u32 s9, $0xF7A;
	s5 =	simm.s32 @!p2 $0x0  }
0x1d: {  	s5 =	simm.s32 @p1 $0x1;
	p0 =	seq.s32 s7, s2  }
0x1e: {  	s7 =	smul.u32 @!p0 $0xF7A, s2;
	p2 =	seq.s32 @!p0 s5, $0x0  }
0x1f: {  	s9 =	smul.u32 $0xF7A, s1;
	s8 =	simm.s32 @!p0 $0x1BF5;
	p2 =	por !p2, p0  }
0x20: {  	[sflag:s8] =	ssyncset.s32 @!p0 $0xFFFFF086;
	s6 =	sadd.s32 @!p0 s3, s7;
	s7 =	simm.s32 @!p0 $0x108  }
0x21: {  	s3 =	sadd.s32 s3, s9;
	s6 =	sadd.s32 @!p0 $0x88, s6;
	s7 =	simm.s32 @p2 $0x1082  }
0x22: {  	[simem:s7], [sflag:s8] =	dma.local @!p0 [hbm:s6], $0xF7A  }
0x23: {  	s9 =	sor.u32 $0xD0000000, s2;
	s6 =	simm.s32 $0x108;
	_ =	swait.ge @!p0 [sflag:s8], $0x0  }
0x24: {  	s3 =	sadd.s32 $0x88, s3;
	s6 =	simm.s32 @!p1 $0x1082;
	[sflag:s4] =	ssyncset.s32 $0xFFFFF086  }
0x25: {  	[simem:s6], [sflag:s4] =	dma.local [hbm:s3], $0xF7A  }
0x26: {  	[smem:$0x3F9F] =	sst s1;
	(tag) =	ssettag s2;
	_ =	strace s9  }
0x27: {  	s1 =	sld [smem:$0x3FAF]  }
0x28: {  	s2 =	sld [smem:$0x3FB0]  }
0x29: {  	s4 =	sld [smem:$0x3FB2]  }
0x2a: {  	p0 =	seq.s32 s5, $0x0;
	s5 =	sld [smem:$0x3FB3]  }
0x2b: {  	s6 =	sld [smem:$0x3FB4]  }
0x2c: {  	s7 =	sld [smem:$0x3FB5]  }
0x2d: {  	s3 =	simm.s32 $0x108;
	s8 =	sld [smem:$0x3FB6]  }
0x2e: {  	s3 =	simm.s32 @!p0 $0x1082;
	s9 =	sld [smem:$0x3FB7]  }
0x2f: {  	lr =	sadd.s32 s0, s3;
	s0 =	sld [smem:$0x3FAE]  }
0x30: {  	s3 =	sld [smem:$0x3FB1]  }
0x31: {  	[smem:$0x3FBA] =	sst s10  }
0x32: {  	s10 =	sld [smem:$0x3FB8];
	_ =	sdelay $0x3  }
0x33: {  	p0 =	seq.s32 s10, $0x1;
	s10 =	sld [smem:$0x3FBA];
	_ =	sdelay $0x3  }
0x34: {  	[smem:$0x3FBA] =	sst s10  }
0x35: {  	s10 =	sld [smem:$0x3FB9];
	_ =	sdelay $0x3  }
0x36: {  	p1 =	seq.s32 s10, $0x1;
	s10 =	sld [smem:$0x3FBA];
	_ =	sdelay $0x3  }
0x37: {  	[smem:$0x3FBA] =	sst s10  }
0x38: {  	s10 =	sld [smem:$0x3FBB]  }
0x39: {  	_ = 	snop;
	(pc) =	sbr.ind lr, $3  }
0x3a: {  	_ = 	snop  }
0x3b: {  	_ = 	snop  }
0x3c: {  	p2 =	seq.s32 s10, $0x1;
	s10 =	sld [smem:$0x3FBA]  }
0x3d: {  	_ =	shalt  }
0x3e: {  	_ =	shalt  }
0x3f: {  	_ =	shalt  }
0x40: {  	_ =	shalt  }
0x41: {  	_ =	shalt  }
0x42: {  	_ =	shalt  }
0x43: {  	_ =	shalt  }
0x44: {  	_ =	shalt  }
0x45: {  	_ =	shalt  }
0x46: {  	_ =	shalt  }
0x47: {  	_ =	shalt  }
0x48: {  	_ =	shalt  }
0x49: {  	_ =	shalt  }
0x4a: {  	_ =	shalt  }
0x4b: {  	_ =	shalt  }
0x4c: {  	_ =	shalt  }
0x4d: {  	_ =	shalt  }
0x4e: {  	_ =	shalt  }
0x4f: {  	_ =	shalt  }
0x50: {  	_ =	shalt  }
0x51: {  	_ =	shalt  }
0x52: {  	_ =	shalt  }
0x53: {  	_ =	shalt  }
0x54: {  	_ =	shalt  }
0x55: {  	_ =	shalt  }
0x56: {  	_ =	shalt  }
0x57: {  	_ =	shalt  }
0x58: {  	_ =	shalt  }
0x59: {  	_ =	shalt  }
0x5a: {  	_ =	shalt  }
0x5b: {  	_ =	shalt  }
0x5c: {  	_ =	shalt  }
0x5d: {  	_ =	shalt  }
0x5e: {  	_ =	shalt  }
0x5f: {  	_ =	shalt  }
0x60: {  	_ =	shalt  }
0x61: {  	_ =	shalt  }
0x62: {  	_ =	shalt  }
0x63: {  	_ =	shalt  }
0x64: {  	_ =	shalt  }
0x65: {  	_ =	shalt  }
0x66: {  	_ =	shalt  }
0x67: {  	_ =	shalt  }
0x68: {  	_ =	shalt  }
0x69: {  	_ =	shalt  }
0x6a: {  	_ =	shalt  }
0x6b: {  	_ =	shalt  }
0x6c: {  	_ =	shalt  }
0x6d: {  	_ =	shalt  }
0x6e: {  	_ =	shalt  }
0x6f: {  	_ =	shalt  }
0x70: {  	_ =	shalt  }
0x71: {  	_ =	shalt  }
0x72: {  	_ =	shalt  }
0x73: {  	_ =	shalt  }
0x74: {  	_ =	shalt  }
0x75: {  	_ =	shalt  }
0x76: {  	_ =	shalt  }
0x77: {  	_ =	shalt  }
0x78: {  	_ =	shalt  }
0x79: {  	_ =	shalt  }
0x7a: {  	_ =	shalt  }
0x7b: {  	_ =	shalt  }
0x7c: {  	_ =	shalt  }
0x7d: {  	_ =	shalt  }
0x7e: {  	_ =	shalt  }
0x7f: {  	_ =	shalt  }
0x80: {  	_ =	shalt  }
0x81: {  	_ =	shalt  }
0x82: {  	_ =	shalt  }
0x83: {  	_ =	shalt  }
0x84: {  	_ =	shalt  }
0x85: {  	_ =	shalt  }
0x86: {  	_ =	shalt  }
0x87: {  	_ =	shalt  }
.Lfunc_end0:
.L_simem_size_0:
called_computation.2_lowered:
.L_overlay_start_0:
0x88: {  	s2 =	sld [smem:$0x3FD9]  }
0x89: {  	s3 =	sld [smem:$0x3FFE];
	_ =	sdelay $0x1  }
0x8a: {  	s1 =	srdreg.scid  }
0x8b: {  	s0 =	sand.u32 $0x1, s1  }
0x8c: {  	s17 =	sshll.u32 s0, $0xA;
	s2 =	sadd.s32 s3, s2  }
0x8d: {  	s2 =	sadd.s32 s2, s17  }
0x8e: {  	[smem:$0x3FC6] =	sst s2  }
0x8f: {  	_ = 	snop  }
0x90: {  	s2 =	sld [smem:$0x3FD0];
	(tm) =	ssettm $0x1  }
0x91: {  	s18 =	sld [smem:$0x3FFB];
	_ =	sdelay $0x3  }
0x92: {  	_ =	strace s18  }
0x93: {  	s3 =	sld [smem:$0x3FFC];
	_ =	sdelay $0x3  }
0x94: {  	_ =	strace s3  }
0x95: {  	s3 =	sld [smem:$0x3FFD];
	_ =	sdelay $0x3  }
0x96: {  	_ =	strace s3  }
0x97: {  	_ =	strace $0x8FFFFFFF  }
0x98: {  	s19 =	sld [smem:$0x3FDB];
	_ =	sdelay $0x1  }
0x99: {  	s4 =	simm.s32 $_scs_section_size  }
0x9a: {  	s5 =	simm.s32 $_size__tile_overlayer_lowered;
	s6 =	simm.s32 $_tile_overlayer_lowered  }
0x9b: {  	s22 =	simm.s32 $0x1BFF;
	s21 =	sshll.u32 s6, $0x1;
	s3 =	sadd.s32 s4, s19  }
0x9c: {  	s7 =	simm.s32 $0x0;
	s20 =	sshll.u32 s5, $0x1;
	s5 =	sadd.s32 s21, s3  }
0x9d: {  	[timem:s7], [sflag:s22] =	dma.local [hbm:s5], s20  }
0x9e: {  	_ =	swait.ge [sflag:s22], s20  }
0x9f: {  	s4 =	ssub.s32 $0x0, s20;
	[sflag:s22] =	ssyncset.done $0x0  }
0xa0: {  	[sflag:s22] =	ssyncadd.s32 s4;
	_ =	sdelay $0x1  }
0xa1: {  	s23 =	simm.s32 $0x1B8B  }
0xa2: {  	_ =	swait.ge [sflag:s23], $0x1  }
0xa3: {  	[sflag:s23] =	ssyncset.done $0x0  }
0xa4: {  	s25 =	simm.s32 $0x1B8E;
	s24 =	sld [smem:$0x3FFE];
	[sflag:s23] =	ssyncadd.s32 $0xFFFFFFFF  }
0xa5: {  	s26 =	simm.s32 $execute0_lowered;
	[smem:$0x3FD2] =	sst s25  }
0xa6: {  	s5 =	sshll.u32 s26, $0x1;
	_ =	strace $0x8000004C;
	[dreg:$0x1] =	wrdreg $0xFFFFFFFF  }
0xa7: {  	s28 =	simm.s32 $_size_execute0_lowered;
	s3 =	sadd.s32 s3, s5;
	[dreg:$0x0] =	wrdreg $0x0  }
0xa8: {  	s5 =	sshll.u32 s28, $0x1;
	[dreg:$0x2] =	wrdreg s3  }
0xa9: {  	[dreg:$0x3] =	wrdreg s5  }
0xaa: {  	[dreg:$0x4] =	wrdreg $0xC0  }
0xab: {  	_ =	task [dreg:s7], $0x5FFFF  }
0xac: {  	[dreg:$0x1] =	wrdreg $0xFFFFFFFF  }
0xad: {  	[dreg:$0x0] =	wrdreg $0x60  }
0xae: {  	[dreg:$0x2] =	wrdreg s2  }
0xaf: {  	[dreg:$0x3] =	wrdreg s24  }
0xb0: {  	[dreg:$0x4] =	wrdreg $0x9  }
0xb1: {  	_ =	task.clear_ibuf [dreg:s7], $0x5FFFF;
	_ =	strace $0x9000004C  }
0xb2: {  	s29 =	simm.s32 $0x9;
	_ =	strace $0x8000004E  }
0xb3: {  	_ =	swait.ge [sflag:s29], $0x1  }
0xb4: {  	[sflag:s29] =	ssyncadd.s32 $0xFFFFFFFF  }
0xb5: {  	_ =	strace $0x9000004E  }
0xb6: {  	_ =	sfence  }
0xb7: {  	s30 =	sld [smem:$0x0];
	_ =	sdelay $0x2  }
0xb8: {  	s31 =	sshll.u32 s1, $0xD;
	s1 =	sshrl.u32 s1, $0x2  }
0xb9: {  	s3 =	sand.u32 $0x4000, s31;
	s1 =	sadd.s32 s1, s30  }
0xba: {  	s0 =	sor.u32 s3, s0;
	s1 =	sshll.u32 s1, $0x11  }
0xbb: {  	s0 =	sor.u32 s1, s0  }
0xbc: {  	s0 =	sadd.s32 $0x8F2B, s0  }
0xbd: {  	[sflag:s0] =	ssyncadd.remote.s32 $0x1  }
0xbe: {  	_ =	sfence.sel $0xFFFF  }
0xbf: {  	[dreg:$0x0] =	wrdreg $0xFFFFFFFF;
	(pc) =	sbr.abs _section_cstart, $3  }
0xc0: {  	[dreg:$0x1] =	wrdreg $0xFFFFFFFF  }
0xc1: {  	_ =	task.clear_ibuf [dreg:s7], $0x2FFFF;
	_ =	strace $0x9FFFFFFF  }
0xc2: {  	(tm) =	ssettm $0x7FFFFFFF  }
0xc3: {  	_ =	shalt  }
tec
execute0_lowered:
.L_overlay_start_1:
0x0: {  	(tag) =	ssettag $0x1  }
0x1: {  	s1 =	rddreg [dreg:$0x0]  }
0x2: {  	s0 =	rddreg [dreg:$0x1];
	s3 =	simm.s32 $0x0  }
0x3: {  	s2 =	srdreg.scid;
	s4 =	stileid.u32;
	s28 =	simm.s32 $0x14000  }
0x4: {  	s29 =	simm.s32 $0x3;
	s30 =	simm.s32 $0x4;
	s31 =	simm.s32 $0x0  }
0x5: {  	[smem:$0x7FF] =	sst s3;
	s2 =	sand.u32 $0x1, s2;
	s4 =	sshll.u32 s4, $0x1  }
0x6: {  	s6 =	sadd.s32 $0x100C00, s0;
	_ =	strace $0x8000004D;
	s8 =	sor.u32 s2, s4  }
0x7: {  	s4 =	sadd.s32 $0xC00, s0;
	s2 =	ssub.s32 $0x2, s2;
	s5 =	sshll.u32 s8, $0x14  }
0x8: {  	s21 =	sshrl.u32 s2, $0x1;
	s10 =	sshll.u32 s8, $0x11;
	s7 =	sand.u32 $0x700000, s5  }
0x9: {  	s0 =	ssub.s32 s2, s21;
	s9 =	sadd.s32 s1, s10;
	s23 =	sor.u32 $0x800, s10  }
0xa: {  	s12 =	sadd.s32 s6, s10;
	s21 =	simm.s32 $0x8000;
	s22 =	sshrl.u32 s7, $0x3  }
0xb: {  	s24 =	sadd.s32 s1, s23;
	s26 =	sadd.s32 $0x1000, s9;
	s2 =	sadd.s32 s6, s23  }
0xc: {  	s17 =	sadd.s32 $0x1800, s9;
	s18 =	sadd.s32 $0x1F000, s12;
	[dreg:$0x4] =	wrdreg s24  }
0xd: {  	s19 =	sadd.s32 $0x1F800, s12;
	s20 =	smax.u32 s0, $0x1;
	[dreg:$0x6] =	wrdreg s26  }
0xe: {  	s23 =	simm.s32 $0xC000;
	s8 =	sadd.s32 s4, s22;
	[dreg:$0x7] =	wrdreg s2  }
0xf: {  	s22 =	simm.s32 $0x4000;
	s24 =	simm.s32 $0x1;
	s11 =	sadd.s32 $0x800, s8  }
0x10: {  	s26 =	simm.s32 $0x2;
	s25 =	sadd.s32 $0x1000, s8;
	[dreg:$0x3] =	wrdreg s11  }
0x11: {  	s16 =	sadd.s32 $0x1800, s8;
	[dreg:$0x5] =	wrdreg s25;
	s25 =	simm.s32 $0x10000  }
.LBB2_1:
0x12: {  	[tilespmem:s3], [sflag:$0x1] =	stream.linear.gather [hbm4b:s8+s3], $0x4000, $0x38;
	[tilespmem:$0x18000] =	vst v63  }
0x13: {  	_ = 	snop  }
0x14: {  	[tilespmem:s21], [sflag:$0x1] =	stream.linear.gather [hbm4b:s9+s3], $0x4000, $0x38;
	[tilespmem:$0x18000] =	vst v63  }
0x15: {  	s0 =	rddreg [dreg:$0x3]  }
0x16: {  	[tilespmem:s22], [sflag:$0x2] =	stream.linear.gather [hbm4b:s0+s3], $0x4000, $0x38;
	[tilespmem:$0x18000] =	vst v63  }
0x17: {  	s15 =	rddreg [dreg:$0x4]  }
0x18: {  	[tilespmem:s23], [sflag:$0x2] =	stream.linear.gather [hbm4b:s15+s3], $0x4000, $0x38;
	[tilespmem:$0x18000] =	vst v63  }
0x19: {  	_ =	swait.ge [sflag:s24], $0x4000  }
0x1a: {  	[sflag:s24] =	ssyncset.done $0x0  }
0x1b: {  	[sflag:s24] =	ssyncadd.s32 $0xFFFFC000  }
0x1c: {  	_ =	swait.ge [sflag:s24], $0x4000  }
0x1d: {  	[sflag:s24] =	ssyncset.done $0x0  }
0x1e: {  	s11 =	simm.s32 $0x8040;
	[sflag:s24] =	ssyncadd.s32 $0xFFFFC000  }
0x1f: {  	s0 =	simm.s32 $0x40;
	v1 =	vld [tilespmem:s11+$0x30]  }
0x20: {  	v2 =	vld [tilespmem:s0+$0x30]  }
0x21: {  	v0 =	vld [tilespmem:s0+$0xFFFFFFC0]  }
0x22: {  	v3 =	vld [tilespmem:s11+$0xFFFFFFD0]  }
0x23: {  	v4 =	vld [tilespmem:s0+$0xFFFFFFD0]  }
0x24: {  	v5 =	vld [tilespmem:s11+$0xFFFFFFE0]  }
0x25: {  	v6 =	vld [tilespmem:s0+$0xFFFFFFE0]  }
0x26: {  	v7 =	vld [tilespmem:s11+$0xFFFFFFF0]  }
0x27: {  	v8 =	vld [tilespmem:s0+$0xFFFFFFF0]  }
0x28: {  	v9 =	vld [tilespmem:s11+$0x0]  }
0x29: {  	v10 =	vld [tilespmem:s0+$0x0];
	v2 =	vadd.f32 v2, v1  }
0x2a: {  	s2 =	simm.s32 $0x10040;
	v4 =	vadd.f32 v4, v3;
	v1 =	vld [tilespmem:s11+$0x10]  }
0x2b: {  	v5 =	vadd.f32 v6, v5;
	v3 =	vld [tilespmem:s0+$0x10];
	[tilespmem:s2+$0x30] =	vst v2  }
0x2c: {  	v6 =	vadd.f32 v8, v7;
	[tilespmem:s2+$0xFFFFFFD0] =	vst v4;
	v2 =	vld [tilespmem:s11+$0x20]  }
0x2d: {  	[tilespmem:s2+$0xFFFFFFE0] =	vst v5;
	v5 =	vld [tilespmem:s0+$0x20]  }
0x2e: {  	s10 =	simm.s32 $0x0;
	v4 =	vld [tilespmem:s11+$0xFFFFFFC0];
	[tilespmem:s2+$0xFFFFFFF0] =	vst v6;
	v6 =	vadd.f32 v10, v9;
	s11 =	simm.s32 $0x80C0  }
.LBB2_2:
0x2f: {  	v7 =	vld [tilespmem:s11+$0x30];
	s0 =	sadd.s32 $0x80, s0  }
0x30: {  	s10 =	sadd.s32 $0x80, s10;
	v8 =	vld [tilespmem:s0+$0x30];
	[tilespmem:s2+$0x0] =	vst v6;
	v1 =	vadd.f32 v3, v1  }
0x31: {  	p0 =	slt.u32 s10, $0x3F80;
	v3 =	vld [tilespmem:s0+$0xFFFFFFC0]  }
0x32: {  	v6 =	vld [tilespmem:s11+$0xFFFFFFD0];
	[tilespmem:s2+$0x10] =	vst v1;
	v1 =	vadd.f32 v5, v2  }
0x33: {  	v2 =	vld [tilespmem:s0+$0xFFFFFFD0];
	v9 =	vadd.f32 v0, v4  }
0x34: {  	v4 =	vld [tilespmem:s11+$0xFFFFFFE0];
	[tilespmem:s2+$0x20] =	vst v1  }
0x35: {  	v1 =	vld [tilespmem:s0+$0xFFFFFFE0];
	v5 =	vadd.f32 v8, v7;
	[tilespmem:s2+$0xFFFFFFC0] =	vst v9  }
0x36: {  	s2 =	sadd.s32 $0x80, s2;
	v7 =	vld [tilespmem:s11+$0xFFFFFFF0];
	v0 =	vmov v3  }
0x37: {  	v8 =	vld [tilespmem:s0+$0xFFFFFFF0];
	[tilespmem:s2+$0x30] =	vst v5  }
0x38: {  	v2 =	vadd.f32 v2, v6;
	v6 =	vld [tilespmem:s11+$0x0]  }
0x39: {  	v9 =	vld [tilespmem:s0+$0x0]  }
.Ltmp0:
0x3a: {  	[tilespmem:s2+$0xFFFFFFD0] =	vst v2;
	v2 =	vadd.f32 v1, v4;
	v1 =	vld [tilespmem:s11+$0x10];
	(pc) =	sbr.rel @p0 .LBB2_2-.Ltmp0, $4  }
0x3b: {  	v3 =	vld [tilespmem:s0+$0x10]  }
0x3c: {  	[tilespmem:s2+$0xFFFFFFE0] =	vst v2;
	v7 =	vadd.f32 v8, v7;
	v2 =	vld [tilespmem:s11+$0x20]  }
0x3d: {  	v5 =	vld [tilespmem:s0+$0x20]  }
0x3e: {  	v4 =	vld [tilespmem:s11+$0xFFFFFFC0];
	[tilespmem:s2+$0xFFFFFFF0] =	vst v7;
	v6 =	vadd.f32 v9, v6;
	s11 =	sadd.s32 $0x80, s11  }
0x3f: {  	_ =	sdelay $0x1  }
0x40: {  	v1 =	vadd.f32 v3, v1  }
0x41: {  	[tilespmem:s2+$0x0] =	vst v6;
	v2 =	vadd.f32 v5, v2  }
0x42: {  	[tilespmem:s2+$0x10] =	vst v1;
	v0 =	vadd.f32 v0, v4  }
0x43: {  	[tilespmem:s2+$0x20] =	vst v2  }
0x44: {  	[tilespmem:s2+$0xFFFFFFC0] =	vst v0  }
0x45: {  	[hbm4b:s12+s3] =	stream.linear.scatter [tilespmem:s25], [sflag:$0x3], $0x4000, $0x38;
	[tilespmem:$0x18000] =	vst v63  }
0x46: {  	s0 =	rddreg [dreg:$0x5]  }
0x47: {  	[tilespmem:s3], [sflag:$0x1] =	stream.linear.gather [hbm4b:s0+s3], $0x4000, $0x38;
	[tilespmem:$0x18000] =	vst v63  }
0x48: {  	s15 =	rddreg [dreg:$0x6]  }
0x49: {  	[tilespmem:s21], [sflag:$0x1] =	stream.linear.gather [hbm4b:s15+s3], $0x4000, $0x38;
	[tilespmem:$0x18000] =	vst v63  }
0x4a: {  	_ =	swait.ge [sflag:s26], $0x4000  }
0x4b: {  	[sflag:s26] =	ssyncset.done $0x0  }
0x4c: {  	[sflag:s26] =	ssyncadd.s32 $0xFFFFC000  }
0x4d: {  	_ =	swait.ge [sflag:s26], $0x4000  }
0x4e: {  	[sflag:s26] =	ssyncset.done $0x0  }
0x4f: {  	s11 =	simm.s32 $0xC040;
	[sflag:s26] =	ssyncadd.s32 $0xFFFFC000  }
0x50: {  	s0 =	simm.s32 $0x4040;
	v1 =	vld [tilespmem:s11+$0x30]  }
0x51: {  	v2 =	vld [tilespmem:s0+$0x30]  }
0x52: {  	v0 =	vld [tilespmem:s0+$0xFFFFFFC0]  }
0x53: {  	v3 =	vld [tilespmem:s11+$0xFFFFFFD0]  }
0x54: {  	v4 =	vld [tilespmem:s0+$0xFFFFFFD0]  }
0x55: {  	v5 =	vld [tilespmem:s11+$0xFFFFFFE0]  }
0x56: {  	v6 =	vld [tilespmem:s0+$0xFFFFFFE0]  }
0x57: {  	v7 =	vld [tilespmem:s11+$0xFFFFFFF0]  }
0x58: {  	v8 =	vld [tilespmem:s0+$0xFFFFFFF0]  }
0x59: {  	v9 =	vld [tilespmem:s11+$0x0]  }
0x5a: {  	v10 =	vld [tilespmem:s0+$0x0];
	v2 =	vadd.f32 v2, v1  }
0x5b: {  	s2 =	simm.s32 $0x14040;
	v4 =	vadd.f32 v4, v3;
	v1 =	vld [tilespmem:s11+$0x10]  }
0x5c: {  	v5 =	vadd.f32 v6, v5;
	v3 =	vld [tilespmem:s0+$0x10];
	[tilespmem:s2+$0x30] =	vst v2  }
0x5d: {  	v6 =	vadd.f32 v8, v7;
	[tilespmem:s2+$0xFFFFFFD0] =	vst v4;
	v2 =	vld [tilespmem:s11+$0x20]  }
0x5e: {  	[tilespmem:s2+$0xFFFFFFE0] =	vst v5;
	v5 =	vld [tilespmem:s0+$0x20]  }
0x5f: {  	s10 =	simm.s32 $0x0;
	v4 =	vld [tilespmem:s11+$0xFFFFFFC0];
	[tilespmem:s2+$0xFFFFFFF0] =	vst v6;
	v6 =	vadd.f32 v10, v9;
	s11 =	simm.s32 $0xC0C0  }
.LBB2_4:
0x60: {  	v7 =	vld [tilespmem:s11+$0x30];
	s0 =	sadd.s32 $0x80, s0  }
0x61: {  	s10 =	sadd.s32 $0x80, s10;
	v8 =	vld [tilespmem:s0+$0x30];
	[tilespmem:s2+$0x0] =	vst v6;
	v1 =	vadd.f32 v3, v1  }
0x62: {  	p0 =	slt.u32 s10, $0x3F80;
	v3 =	vld [tilespmem:s0+$0xFFFFFFC0]  }
0x63: {  	v6 =	vld [tilespmem:s11+$0xFFFFFFD0];
	[tilespmem:s2+$0x10] =	vst v1;
	v1 =	vadd.f32 v5, v2  }
0x64: {  	v2 =	vld [tilespmem:s0+$0xFFFFFFD0];
	v9 =	vadd.f32 v0, v4  }
0x65: {  	v4 =	vld [tilespmem:s11+$0xFFFFFFE0];
	[tilespmem:s2+$0x20] =	vst v1  }
0x66: {  	v1 =	vld [tilespmem:s0+$0xFFFFFFE0];
	v5 =	vadd.f32 v8, v7;
	[tilespmem:s2+$0xFFFFFFC0] =	vst v9  }
0x67: {  	s2 =	sadd.s32 $0x80, s2;
	v7 =	vld [tilespmem:s11+$0xFFFFFFF0];
	v0 =	vmov v3  }
0x68: {  	v8 =	vld [tilespmem:s0+$0xFFFFFFF0];
	[tilespmem:s2+$0x30] =	vst v5  }
0x69: {  	v2 =	vadd.f32 v2, v6;
	v6 =	vld [tilespmem:s11+$0x0]  }
0x6a: {  	v9 =	vld [tilespmem:s0+$0x0]  }
.Ltmp1:
0x6b: {  	[tilespmem:s2+$0xFFFFFFD0] =	vst v2;
	v2 =	vadd.f32 v1, v4;
	v1 =	vld [tilespmem:s11+$0x10];
	(pc) =	sbr.rel @p0 .LBB2_4-.Ltmp1, $4  }
0x6c: {  	v3 =	vld [tilespmem:s0+$0x10]  }
0x6d: {  	[tilespmem:s2+$0xFFFFFFE0] =	vst v2;
	v7 =	vadd.f32 v8, v7;
	v2 =	vld [tilespmem:s11+$0x20]  }
0x6e: {  	v5 =	vld [tilespmem:s0+$0x20]  }
0x6f: {  	v4 =	vld [tilespmem:s11+$0xFFFFFFC0];
	[tilespmem:s2+$0xFFFFFFF0] =	vst v7;
	v6 =	vadd.f32 v9, v6;
	s11 =	sadd.s32 $0x80, s11  }
0x70: {  	_ =	sdelay $0x1  }
0x71: {  	v1 =	vadd.f32 v3, v1  }
0x72: {  	[tilespmem:s2+$0x0] =	vst v6;
	v2 =	vadd.f32 v5, v2  }
0x73: {  	[tilespmem:s2+$0x10] =	vst v1;
	v0 =	vadd.f32 v0, v4  }
0x74: {  	[tilespmem:s2+$0x20] =	vst v2  }
0x75: {  	[tilespmem:s2+$0xFFFFFFC0] =	vst v0  }
0x76: {  	s0 =	rddreg [dreg:$0x7]  }
0x77: {  	[hbm4b:s0+s3] =	stream.linear.scatter [tilespmem:s28], [sflag:$0x4], $0x4000, $0x38;
	[tilespmem:$0x18000] =	vst v63  }
0x78: {  	_ = 	snop  }
0x79: {  	[tilespmem:s22], [sflag:$0x2] =	stream.linear.gather [hbm4b:s16+s3], $0x4000, $0x38;
	[tilespmem:$0x18000] =	vst v63  }
0x7a: {  	s0 =	simm.s32 $0x1  }
0x7b: {  	[tilespmem:s23], [sflag:$0x2] =	stream.linear.gather [hbm4b:s17+s3], $0x4000, $0x38;
	[tilespmem:$0x18000] =	vst v63  }
.LBB2_6:
0x7c: {  	_ =	swait.ge [sflag:s24], $0x4000  }
0x7d: {  	[sflag:s24] =	ssyncset.done $0x0  }
0x7e: {  	[sflag:s24] =	ssyncadd.s32 $0xFFFFC000  }
0x7f: {  	_ =	swait.ge [sflag:s24], $0x4000  }
0x80: {  	[sflag:s24] =	ssyncset.done $0x0  }
0x81: {  	[sflag:s24] =	ssyncadd.s32 $0xFFFFC000  }
0x82: {  	_ =	swait.ge [sflag:s29], $0x4000  }
0x83: {  	[sflag:s29] =	ssyncset.done $0x0  }
0x84: {  	s13 =	simm.s32 $0x8040;
	[sflag:s29] =	ssyncadd.s32 $0xFFFFC000  }
0x85: {  	s2 =	simm.s32 $0x40;
	v1 =	vld [tilespmem:s13+$0x30]  }
0x86: {  	v2 =	vld [tilespmem:s2+$0x30]  }
0x87: {  	v0 =	vld [tilespmem:s2+$0xFFFFFFC0]  }
0x88: {  	v3 =	vld [tilespmem:s13+$0xFFFFFFD0]  }
0x89: {  	v4 =	vld [tilespmem:s2+$0xFFFFFFD0]  }
0x8a: {  	v5 =	vld [tilespmem:s13+$0xFFFFFFE0]  }
0x8b: {  	v6 =	vld [tilespmem:s2+$0xFFFFFFE0]  }
0x8c: {  	v7 =	vld [tilespmem:s13+$0xFFFFFFF0]  }
0x8d: {  	v8 =	vld [tilespmem:s2+$0xFFFFFFF0]  }
0x8e: {  	v9 =	vld [tilespmem:s13+$0x0]  }
0x8f: {  	v10 =	vld [tilespmem:s2+$0x0];
	v2 =	vadd.f32 v2, v1  }
0x90: {  	s11 =	simm.s32 $0x10040;
	v4 =	vadd.f32 v4, v3;
	v1 =	vld [tilespmem:s13+$0x10]  }
0x91: {  	v5 =	vadd.f32 v6, v5;
	v3 =	vld [tilespmem:s2+$0x10];
	[tilespmem:s11+$0x30] =	vst v2  }
0x92: {  	v6 =	vadd.f32 v8, v7;
	[tilespmem:s11+$0xFFFFFFD0] =	vst v4;
	v2 =	vld [tilespmem:s13+$0x20]  }
0x93: {  	[tilespmem:s11+$0xFFFFFFE0] =	vst v5;
	v5 =	vld [tilespmem:s2+$0x20]  }
0x94: {  	s10 =	simm.s32 $0x0;
	v4 =	vld [tilespmem:s13+$0xFFFFFFC0];
	[tilespmem:s11+$0xFFFFFFF0] =	vst v6;
	v6 =	vadd.f32 v10, v9;
	s13 =	simm.s32 $0x80C0  }
.LBB2_7:
0x95: {  	v7 =	vld [tilespmem:s13+$0x30];
	s2 =	sadd.s32 $0x80, s2  }
0x96: {  	s10 =	sadd.s32 $0x80, s10;
	v8 =	vld [tilespmem:s2+$0x30];
	[tilespmem:s11+$0x0] =	vst v6;
	v1 =	vadd.f32 v3, v1  }
0x97: {  	p0 =	slt.u32 s10, $0x3F80;
	v3 =	vld [tilespmem:s2+$0xFFFFFFC0]  }
0x98: {  	v6 =	vld [tilespmem:s13+$0xFFFFFFD0];
	[tilespmem:s11+$0x10] =	vst v1;
	v1 =	vadd.f32 v5, v2  }
0x99: {  	v2 =	vld [tilespmem:s2+$0xFFFFFFD0];
	v9 =	vadd.f32 v0, v4  }
0x9a: {  	v4 =	vld [tilespmem:s13+$0xFFFFFFE0];
	[tilespmem:s11+$0x20] =	vst v1  }
0x9b: {  	v1 =	vld [tilespmem:s2+$0xFFFFFFE0];
	v5 =	vadd.f32 v8, v7;
	[tilespmem:s11+$0xFFFFFFC0] =	vst v9  }
0x9c: {  	s11 =	sadd.s32 $0x80, s11;
	v7 =	vld [tilespmem:s13+$0xFFFFFFF0];
	v0 =	vmov v3  }
0x9d: {  	v8 =	vld [tilespmem:s2+$0xFFFFFFF0];
	[tilespmem:s11+$0x30] =	vst v5  }
0x9e: {  	v2 =	vadd.f32 v2, v6;
	v6 =	vld [tilespmem:s13+$0x0]  }
0x9f: {  	v9 =	vld [tilespmem:s2+$0x0]  }
.Ltmp2:
0xa0: {  	[tilespmem:s11+$0xFFFFFFD0] =	vst v2;
	v2 =	vadd.f32 v1, v4;
	v1 =	vld [tilespmem:s13+$0x10];
	(pc) =	sbr.rel @p0 .LBB2_7-.Ltmp2, $4  }
0xa1: {  	v3 =	vld [tilespmem:s2+$0x10]  }
0xa2: {  	[tilespmem:s11+$0xFFFFFFE0] =	vst v2;
	v7 =	vadd.f32 v8, v7;
	v2 =	vld [tilespmem:s13+$0x20]  }
0xa3: {  	v5 =	vld [tilespmem:s2+$0x20]  }
0xa4: {  	v4 =	vld [tilespmem:s13+$0xFFFFFFC0];
	[tilespmem:s11+$0xFFFFFFF0] =	vst v7;
	v6 =	vadd.f32 v9, v6;
	s13 =	sadd.s32 $0x80, s13  }
0xa5: {  	_ =	sdelay $0x1  }
0xa6: {  	v1 =	vadd.f32 v3, v1  }
0xa7: {  	s2 =	sshll.u32 s0, $0xF;
	[tilespmem:s11+$0x0] =	vst v6;
	v2 =	vadd.f32 v5, v2  }
0xa8: {  	s10 =	sor.u32 s5, s2;
	s15 =	sadd.s32 $0x8000, s2;
	[tilespmem:s11+$0x10] =	vst v1;
	v0 =	vadd.f32 v0, v4  }
0xa9: {  	s10 =	sshrl.u32 s10, $0x3;
	s13 =	sadd.s32 s7, s15;
	[tilespmem:s11+$0x20] =	vst v2  }
0xaa: {  	s14 =	sadd.s32 s6, s10;
	s13 =	sshrl.u32 s13, $0x3;
	[tilespmem:s11+$0xFFFFFFC0] =	vst v0;
	s11 =	sadd.s32 s5, s15  }
0xab: {  	[hbm4b:s14+s3] =	stream.linear.scatter [tilespmem:s25], [sflag:$0x3], $0x4000, $0x38;
	[tilespmem:$0x18000] =	vst v63  }
0xac: {  	s13 =	sadd.s32 s4, s13;
	s11 =	sshrl.u32 s11, $0x3  }
0xad: {  	[tilespmem:s3], [sflag:$0x1] =	stream.linear.gather [hbm4b:s13+s3], $0x4000, $0x38;
	[tilespmem:$0x18000] =	vst v63  }
0xae: {  	s11 =	sadd.s32 s1, s11  }
0xaf: {  	[tilespmem:s21], [sflag:$0x1] =	stream.linear.gather [hbm4b:s11+s3], $0x4000, $0x38;
	[tilespmem:$0x18000] =	vst v63  }
0xb0: {  	_ =	swait.ge [sflag:s26], $0x4000  }
0xb1: {  	[sflag:s26] =	ssyncset.done $0x0  }
0xb2: {  	[sflag:s26] =	ssyncadd.s32 $0xFFFFC000  }
0xb3: {  	_ =	swait.ge [sflag:s26], $0x4000  }
0xb4: {  	[sflag:s26] =	ssyncset.done $0x0  }
0xb5: {  	[sflag:s26] =	ssyncadd.s32 $0xFFFFC000  }
0xb6: {  	_ =	swait.ge [sflag:s30], $0x4000  }
0xb7: {  	[sflag:s30] =	ssyncset.done $0x0  }
0xb8: {  	s15 =	simm.s32 $0xC040;
	[sflag:s30] =	ssyncadd.s32 $0xFFFFC000  }
0xb9: {  	s11 =	simm.s32 $0x4040;
	v1 =	vld [tilespmem:s15+$0x30]  }
0xba: {  	v2 =	vld [tilespmem:s11+$0x30]  }
0xbb: {  	v0 =	vld [tilespmem:s11+$0xFFFFFFC0]  }
0xbc: {  	v3 =	vld [tilespmem:s15+$0xFFFFFFD0]  }
0xbd: {  	v4 =	vld [tilespmem:s11+$0xFFFFFFD0]  }
0xbe: {  	v5 =	vld [tilespmem:s15+$0xFFFFFFE0]  }
0xbf: {  	v6 =	vld [tilespmem:s11+$0xFFFFFFE0]  }
0xc0: {  	v7 =	vld [tilespmem:s15+$0xFFFFFFF0]  }
0xc1: {  	v8 =	vld [tilespmem:s11+$0xFFFFFFF0]  }
0xc2: {  	v9 =	vld [tilespmem:s15+$0x0]  }
0xc3: {  	v10 =	vld [tilespmem:s11+$0x0];
	v2 =	vadd.f32 v2, v1  }
0xc4: {  	s13 =	simm.s32 $0x14040;
	v4 =	vadd.f32 v4, v3;
	v1 =	vld [tilespmem:s15+$0x10]  }
0xc5: {  	v5 =	vadd.f32 v6, v5;
	v3 =	vld [tilespmem:s11+$0x10];
	[tilespmem:s13+$0x30] =	vst v2  }
0xc6: {  	v6 =	vadd.f32 v8, v7;
	[tilespmem:s13+$0xFFFFFFD0] =	vst v4;
	v2 =	vld [tilespmem:s15+$0x20]  }
0xc7: {  	[tilespmem:s13+$0xFFFFFFE0] =	vst v5;
	v5 =	vld [tilespmem:s11+$0x20]  }
0xc8: {  	s14 =	simm.s32 $0x0;
	v4 =	vld [tilespmem:s15+$0xFFFFFFC0];
	[tilespmem:s13+$0xFFFFFFF0] =	vst v6;
	v6 =	vadd.f32 v10, v9;
	s15 =	simm.s32 $0xC0C0  }
.LBB2_9:
0xc9: {  	v7 =	vld [tilespmem:s15+$0x30];
	s11 =	sadd.s32 $0x80, s11  }
0xca: {  	s14 =	sadd.s32 $0x80, s14;
	v8 =	vld [tilespmem:s11+$0x30];
	[tilespmem:s13+$0x0] =	vst v6;
	v1 =	vadd.f32 v3, v1  }
0xcb: {  	p0 =	slt.u32 s14, $0x3F80;
	v3 =	vld [tilespmem:s11+$0xFFFFFFC0]  }
0xcc: {  	v6 =	vld [tilespmem:s15+$0xFFFFFFD0];
	[tilespmem:s13+$0x10] =	vst v1;
	v1 =	vadd.f32 v5, v2  }
0xcd: {  	v2 =	vld [tilespmem:s11+$0xFFFFFFD0];
	v9 =	vadd.f32 v0, v4  }
0xce: {  	v4 =	vld [tilespmem:s15+$0xFFFFFFE0];
	[tilespmem:s13+$0x20] =	vst v1  }
0xcf: {  	v1 =	vld [tilespmem:s11+$0xFFFFFFE0];
	v5 =	vadd.f32 v8, v7;
	[tilespmem:s13+$0xFFFFFFC0] =	vst v9  }
0xd0: {  	s13 =	sadd.s32 $0x80, s13;
	v7 =	vld [tilespmem:s15+$0xFFFFFFF0];
	v0 =	vmov v3  }
0xd1: {  	v8 =	vld [tilespmem:s11+$0xFFFFFFF0];
	[tilespmem:s13+$0x30] =	vst v5  }
0xd2: {  	v2 =	vadd.f32 v2, v6;
	v6 =	vld [tilespmem:s15+$0x0]  }
0xd3: {  	v9 =	vld [tilespmem:s11+$0x0]  }
.Ltmp3:
0xd4: {  	[tilespmem:s13+$0xFFFFFFD0] =	vst v2;
	v2 =	vadd.f32 v1, v4;
	v1 =	vld [tilespmem:s15+$0x10];
	(pc) =	sbr.rel @p0 .LBB2_9-.Ltmp3, $4  }
0xd5: {  	v3 =	vld [tilespmem:s11+$0x10]  }
0xd6: {  	[tilespmem:s13+$0xFFFFFFE0] =	vst v2;
	v7 =	vadd.f32 v8, v7;
	v2 =	vld [tilespmem:s15+$0x20]  }
0xd7: {  	v5 =	vld [tilespmem:s11+$0x20]  }
0xd8: {  	v4 =	vld [tilespmem:s15+$0xFFFFFFC0];
	[tilespmem:s13+$0xFFFFFFF0] =	vst v7;
	v6 =	vadd.f32 v9, v6;
	s15 =	sadd.s32 $0x80, s15  }
0xd9: {  	_ =	sdelay $0x1  }
0xda: {  	v1 =	vadd.f32 v3, v1  }
0xdb: {  	[tilespmem:s13+$0x0] =	vst v6;
	v2 =	vadd.f32 v5, v2  }
0xdc: {  	[tilespmem:s13+$0x10] =	vst v1;
	v0 =	vadd.f32 v0, v4  }
0xdd: {  	s10 =	sadd.s32 s10, s6;
	s2 =	sadd.s32 $0xC000, s2;
	s0 =	sadd.s32 $0x1, s0;
	[tilespmem:s13+$0x20] =	vst v2  }
0xde: {  	s10 =	sadd.s32 $0x800, s10;
	s15 =	sadd.s32 s7, s2;
	p0 =	sne.s32 s0, $0x1F;
	[tilespmem:s13+$0xFFFFFFC0] =	vst v0  }
0xdf: {  	[hbm4b:s10+s3] =	stream.linear.scatter [tilespmem:s28], [sflag:$0x4], $0x4000, $0x38;
	[tilespmem:$0x18000] =	vst v63  }
.Ltmp4:
0xe0: {  	s2 =	sadd.s32 s5, s2;
	s10 =	sshrl.u32 s15, $0x3;
	(pc) =	sbr.rel @p0 .LBB2_6-.Ltmp4, $4  }
0xe1: {  	s2 =	sshrl.u32 s2, $0x3;
	s10 =	sadd.s32 s4, s10  }
0xe2: {  	[tilespmem:s22], [sflag:$0x2] =	stream.linear.gather [hbm4b:s10+s3], $0x4000, $0x38;
	[tilespmem:$0x18000] =	vst v63  }
0xe3: {  	s2 =	sadd.s32 s1, s2  }
0xe4: {  	[tilespmem:s23], [sflag:$0x2] =	stream.linear.gather [hbm4b:s2+s3], $0x4000, $0x38;
	[tilespmem:$0x18000] =	vst v63  }
0xe5: {  	_ =	swait.ge [sflag:s24], $0x4000  }
0xe6: {  	[sflag:s24] =	ssyncset.done $0x0  }
0xe7: {  	[sflag:s24] =	ssyncadd.s32 $0xFFFFC000  }
0xe8: {  	_ =	swait.ge [sflag:s24], $0x4000  }
0xe9: {  	[sflag:s24] =	ssyncset.done $0x0  }
0xea: {  	[sflag:s24] =	ssyncadd.s32 $0xFFFFC000  }
0xeb: {  	_ =	swait.ge [sflag:s29], $0x4000  }
0xec: {  	[sflag:s29] =	ssyncset.done $0x0  }
0xed: {  	s11 =	simm.s32 $0x8040;
	[sflag:s29] =	ssyncadd.s32 $0xFFFFC000  }
0xee: {  	s0 =	simm.s32 $0x40;
	v1 =	vld [tilespmem:s11+$0x30]  }
0xef: {  	v2 =	vld [tilespmem:s0+$0x30]  }
0xf0: {  	v0 =	vld [tilespmem:s0+$0xFFFFFFC0]  }
0xf1: {  	v3 =	vld [tilespmem:s11+$0xFFFFFFD0]  }
0xf2: {  	v4 =	vld [tilespmem:s0+$0xFFFFFFD0]  }
0xf3: {  	v5 =	vld [tilespmem:s11+$0xFFFFFFE0]  }
0xf4: {  	v6 =	vld [tilespmem:s0+$0xFFFFFFE0]  }
0xf5: {  	v7 =	vld [tilespmem:s11+$0xFFFFFFF0]  }
0xf6: {  	v8 =	vld [tilespmem:s0+$0xFFFFFFF0]  }
0xf7: {  	v9 =	vld [tilespmem:s11+$0x0]  }
0xf8: {  	v10 =	vld [tilespmem:s0+$0x0];
	v2 =	vadd.f32 v2, v1  }
0xf9: {  	s2 =	simm.s32 $0x10040;
	v4 =	vadd.f32 v4, v3;
	v1 =	vld [tilespmem:s11+$0x10]  }
0xfa: {  	v5 =	vadd.f32 v6, v5;
	v3 =	vld [tilespmem:s0+$0x10];
	[tilespmem:s2+$0x30] =	vst v2  }
0xfb: {  	v6 =	vadd.f32 v8, v7;
	[tilespmem:s2+$0xFFFFFFD0] =	vst v4;
	v2 =	vld [tilespmem:s11+$0x20]  }
0xfc: {  	[tilespmem:s2+$0xFFFFFFE0] =	vst v5;
	v5 =	vld [tilespmem:s0+$0x20]  }
0xfd: {  	s10 =	simm.s32 $0x0;
	v4 =	vld [tilespmem:s11+$0xFFFFFFC0];
	[tilespmem:s2+$0xFFFFFFF0] =	vst v6;
	v6 =	vadd.f32 v10, v9;
	s11 =	simm.s32 $0x80C0  }
.LBB2_12:
0xfe: {  	v7 =	vld [tilespmem:s11+$0x30];
	s0 =	sadd.s32 $0x80, s0  }
0xff: {  	s10 =	sadd.s32 $0x80, s10;
	v8 =	vld [tilespmem:s0+$0x30];
	[tilespmem:s2+$0x0] =	vst v6;
	v1 =	vadd.f32 v3, v1  }
0x100: {  	p0 =	slt.u32 s10, $0x3F80;
	v3 =	vld [tilespmem:s0+$0xFFFFFFC0]  }
0x101: {  	v6 =	vld [tilespmem:s11+$0xFFFFFFD0];
	[tilespmem:s2+$0x10] =	vst v1;
	v1 =	vadd.f32 v5, v2  }
0x102: {  	v2 =	vld [tilespmem:s0+$0xFFFFFFD0];
	v9 =	vadd.f32 v0, v4  }
0x103: {  	v4 =	vld [tilespmem:s11+$0xFFFFFFE0];
	[tilespmem:s2+$0x20] =	vst v1  }
0x104: {  	v1 =	vld [tilespmem:s0+$0xFFFFFFE0];
	v5 =	vadd.f32 v8, v7;
	[tilespmem:s2+$0xFFFFFFC0] =	vst v9  }
0x105: {  	s2 =	sadd.s32 $0x80, s2;
	v7 =	vld [tilespmem:s11+$0xFFFFFFF0];
	v0 =	vmov v3  }
0x106: {  	v8 =	vld [tilespmem:s0+$0xFFFFFFF0];
	[tilespmem:s2+$0x30] =	vst v5  }
0x107: {  	v2 =	vadd.f32 v2, v6;
	v6 =	vld [tilespmem:s11+$0x0]  }
0x108: {  	v9 =	vld [tilespmem:s0+$0x0]  }
.Ltmp5:
0x109: {  	[tilespmem:s2+$0xFFFFFFD0] =	vst v2;
	v2 =	vadd.f32 v1, v4;
	v1 =	vld [tilespmem:s11+$0x10];
	(pc) =	sbr.rel @p0 .LBB2_12-.Ltmp5, $4  }
0x10a: {  	v3 =	vld [tilespmem:s0+$0x10]  }
0x10b: {  	[tilespmem:s2+$0xFFFFFFE0] =	vst v2;
	v7 =	vadd.f32 v8, v7;
	v2 =	vld [tilespmem:s11+$0x20]  }
0x10c: {  	v5 =	vld [tilespmem:s0+$0x20]  }
0x10d: {  	v4 =	vld [tilespmem:s11+$0xFFFFFFC0];
	[tilespmem:s2+$0xFFFFFFF0] =	vst v7;
	v6 =	vadd.f32 v9, v6;
	s11 =	sadd.s32 $0x80, s11  }
0x10e: {  	_ =	sdelay $0x1  }
0x10f: {  	v1 =	vadd.f32 v3, v1  }
0x110: {  	[tilespmem:s2+$0x0] =	vst v6;
	v2 =	vadd.f32 v5, v2  }
0x111: {  	[tilespmem:s2+$0x10] =	vst v1;
	v0 =	vadd.f32 v0, v4  }
0x112: {  	[tilespmem:s2+$0x20] =	vst v2  }
0x113: {  	[tilespmem:s2+$0xFFFFFFC0] =	vst v0  }
0x114: {  	[hbm4b:s18+s3] =	stream.linear.scatter [tilespmem:s25], [sflag:$0x3], $0x4000, $0x38;
	[tilespmem:$0x18000] =	vst v63  }
0x115: {  	_ =	swait.ge [sflag:s26], $0x4000  }
0x116: {  	[sflag:s26] =	ssyncset.done $0x0  }
0x117: {  	[sflag:s26] =	ssyncadd.s32 $0xFFFFC000  }
0x118: {  	_ =	swait.ge [sflag:s26], $0x4000  }
0x119: {  	[sflag:s26] =	ssyncset.done $0x0  }
0x11a: {  	[sflag:s26] =	ssyncadd.s32 $0xFFFFC000  }
0x11b: {  	_ =	swait.ge [sflag:s30], $0x4000  }
0x11c: {  	[sflag:s30] =	ssyncset.done $0x0  }
0x11d: {  	s11 =	simm.s32 $0xC040;
	[sflag:s30] =	ssyncadd.s32 $0xFFFFC000  }
0x11e: {  	s0 =	simm.s32 $0x4040;
	v1 =	vld [tilespmem:s11+$0x30]  }
0x11f: {  	v2 =	vld [tilespmem:s0+$0x30]  }
0x120: {  	v0 =	vld [tilespmem:s0+$0xFFFFFFC0]  }
0x121: {  	v3 =	vld [tilespmem:s11+$0xFFFFFFD0]  }
0x122: {  	v4 =	vld [tilespmem:s0+$0xFFFFFFD0]  }
0x123: {  	v5 =	vld [tilespmem:s11+$0xFFFFFFE0]  }
0x124: {  	v6 =	vld [tilespmem:s0+$0xFFFFFFE0]  }
0x125: {  	v7 =	vld [tilespmem:s11+$0xFFFFFFF0]  }
0x126: {  	v8 =	vld [tilespmem:s0+$0xFFFFFFF0]  }
0x127: {  	v9 =	vld [tilespmem:s11+$0x0]  }
0x128: {  	v10 =	vld [tilespmem:s0+$0x0];
	v2 =	vadd.f32 v2, v1  }
0x129: {  	s2 =	simm.s32 $0x14040;
	v4 =	vadd.f32 v4, v3;
	v1 =	vld [tilespmem:s11+$0x10]  }
0x12a: {  	v5 =	vadd.f32 v6, v5;
	v3 =	vld [tilespmem:s0+$0x10];
	[tilespmem:s2+$0x30] =	vst v2  }
0x12b: {  	v6 =	vadd.f32 v8, v7;
	[tilespmem:s2+$0xFFFFFFD0] =	vst v4;
	v2 =	vld [tilespmem:s11+$0x20]  }
0x12c: {  	[tilespmem:s2+$0xFFFFFFE0] =	vst v5;
	v5 =	vld [tilespmem:s0+$0x20]  }
0x12d: {  	s10 =	simm.s32 $0x0;
	v4 =	vld [tilespmem:s11+$0xFFFFFFC0];
	[tilespmem:s2+$0xFFFFFFF0] =	vst v6;
	v6 =	vadd.f32 v10, v9;
	s11 =	simm.s32 $0xC0C0  }
.LBB2_14:
0x12e: {  	v7 =	vld [tilespmem:s11+$0x30];
	s0 =	sadd.s32 $0x80, s0  }
0x12f: {  	s10 =	sadd.s32 $0x80, s10;
	v8 =	vld [tilespmem:s0+$0x30];
	[tilespmem:s2+$0x0] =	vst v6;
	v1 =	vadd.f32 v3, v1  }
0x130: {  	p0 =	slt.u32 s10, $0x3F80;
	v3 =	vld [tilespmem:s0+$0xFFFFFFC0]  }
0x131: {  	v6 =	vld [tilespmem:s11+$0xFFFFFFD0];
	[tilespmem:s2+$0x10] =	vst v1;
	v1 =	vadd.f32 v5, v2  }
0x132: {  	v2 =	vld [tilespmem:s0+$0xFFFFFFD0];
	v9 =	vadd.f32 v0, v4  }
0x133: {  	v4 =	vld [tilespmem:s11+$0xFFFFFFE0];
	[tilespmem:s2+$0x20] =	vst v1  }
0x134: {  	v1 =	vld [tilespmem:s0+$0xFFFFFFE0];
	v5 =	vadd.f32 v8, v7;
	[tilespmem:s2+$0xFFFFFFC0] =	vst v9  }
0x135: {  	s2 =	sadd.s32 $0x80, s2;
	v7 =	vld [tilespmem:s11+$0xFFFFFFF0];
	v0 =	vmov v3  }
0x136: {  	v8 =	vld [tilespmem:s0+$0xFFFFFFF0];
	[tilespmem:s2+$0x30] =	vst v5  }
0x137: {  	v2 =	vadd.f32 v2, v6;
	v6 =	vld [tilespmem:s11+$0x0]  }
0x138: {  	v9 =	vld [tilespmem:s0+$0x0]  }
.Ltmp6:
0x139: {  	[tilespmem:s2+$0xFFFFFFD0] =	vst v2;
	v2 =	vadd.f32 v1, v4;
	v1 =	vld [tilespmem:s11+$0x10];
	(pc) =	sbr.rel @p0 .LBB2_14-.Ltmp6, $4  }
0x13a: {  	v3 =	vld [tilespmem:s0+$0x10]  }
0x13b: {  	[tilespmem:s2+$0xFFFFFFE0] =	vst v2;
	v7 =	vadd.f32 v8, v7;
	v2 =	vld [tilespmem:s11+$0x20]  }
0x13c: {  	v5 =	vld [tilespmem:s0+$0x20]  }
0x13d: {  	v4 =	vld [tilespmem:s11+$0xFFFFFFC0];
	[tilespmem:s2+$0xFFFFFFF0] =	vst v7;
	v6 =	vadd.f32 v9, v6;
	s11 =	sadd.s32 $0x80, s11  }
0x13e: {  	_ =	sdelay $0x1  }
0x13f: {  	v1 =	vadd.f32 v3, v1  }
0x140: {  	[tilespmem:s2+$0x0] =	vst v6;
	v2 =	vadd.f32 v5, v2  }
0x141: {  	[tilespmem:s2+$0x10] =	vst v1;
	v0 =	vadd.f32 v0, v4  }
0x142: {  	[tilespmem:s2+$0x20] =	vst v2  }
0x143: {  	s31 =	sadd.s32 $0x1, s31;
	[tilespmem:s2+$0xFFFFFFC0] =	vst v0  }
0x144: {  	[hbm4b:s19+s3] =	stream.linear.scatter [tilespmem:s28], [sflag:$0x4], $0x4000, $0x38;
	[tilespmem:$0x18000] =	vst v63  }
0x145: {  	p0 =	sne.s32 s31, s20;
	_ =	swait.ge [sflag:s29], $0x4000  }
.Ltmp7:
0x146: {  	[sflag:s29] =	ssyncset.done $0x0;
	(pc) =	sbr.rel @p0 .LBB2_1-.Ltmp7, $4  }
0x147: {  	[sflag:s29] =	ssyncadd.s32 $0xFFFFC000  }
0x148: {  	_ =	swait.ge [sflag:s30], $0x4000  }
0x149: {  	[sflag:s30] =	ssyncset.done $0x0  }
0x14a: {  	[sflag:s30] =	ssyncadd.s32 $0xFFFFC000  }
0x14b: {  	_ =	sfence.sel $0x180000  }
0x14c: {  	[bflag:$0x0] =	sbarrier.arrive $0xFFFF  }
0x14d: {  	_ =	strace $0x9000004D  }
0x14e: {  	s0 =	stileid.u32;
	[bflag:$0x2] =	sbarrier.arrive $0xFFFF  }
0x14f: {  	p0 =	sne.s32 s0, $0x0;
	s0 =	rddreg [dreg:$0x2]  }
0x150: {  	s0 =	sadd.s32 @!p0 $0x100000, s0  }
0x151: {  	[sflag:s0] =	ssyncadd.tile.s32 @!p0 $0x1;
	_ =	shalt  }
.Lfunc_end2:
_tile_overlayer_lowered:
.L_overlay_start_2:
0x152: {  	(tag) =	ssettag $0x2  }
0x153: {  	s0 =	rddreg [dreg:$0x0];
	s2 =	stileid.u32  }
0x154: {  	s1 =	rddreg [dreg:$0x1];
	p0 =	sne.s32 s2, $0x0  }
0x155: {  	s3 =	rddreg [dreg:$0x2];
	[bflag:$0x3] =	sbarrier.arrive $0xFFFF;
	s2 =	simm.s32 @!p0 $0x1C05  }
0x156: {  	[timem:s3], [sflag:s2] =	dma.local @!p0 [hbm:s0], s1  }
0x157: {  	s0 =	simm.s32 @!p0 $0x5  }
0x158: {  	_ =	swait.ge @!p0 [sflag:s0], s1  }
0x159: {  	s1 =	ssub.s32 @!p0 $0x0, s1;
	[sflag:s0] =	ssyncset.done @!p0 $0x0  }
0x15a: {  	[sflag:s0] =	ssyncadd.s32 @!p0 s1  }
0x15b: {  	[bflag:$0x3] =	sbarrier.arrive $0xFFFF  }
0x15c: {  	_ =	shalt  }

// kernel: sparse-core-data-format-call.1.cloned.1.call-start
scs
called_computation.1_lowered:
.L_overlay_start_0:
0x0: {  	s2 =	sld [smem:$0x3FD9]  }
0x1: {  	s3 =	sld [smem:$0x3FFE];
	_ =	sdelay $0x1  }
0x2: {  	s1 =	srdreg.scid  }
0x3: {  	s0 =	sand.u32 $0x1, s1  }
0x4: {  	s19 =	sshll.u32 s0, $0xA;
	s2 =	sadd.s32 s3, s2  }
0x5: {  	s2 =	sadd.s32 s2, s19  }
0x6: {  	[smem:$0x3FC6] =	sst s2  }
0x7: {  	_ = 	snop  }
0x8: {  	s20 =	sld [smem:$0x3FC9]  }
0x9: {  	s4 =	sld [smem:$0x3FD0];
	(tm) =	ssettm $0x1  }
0xa: {  	s21 =	sld [smem:$0x3FFB];
	_ =	sdelay $0x3  }
0xb: {  	_ =	strace s21  }
0xc: {  	s2 =	sld [smem:$0x3FFC];
	_ =	sdelay $0x3  }
0xd: {  	_ =	strace s2  }
0xe: {  	s2 =	sld [smem:$0x3FFD];
	_ =	sdelay $0x3  }
0xf: {  	_ =	strace s2  }
0x10: {  	_ =	strace $0x8FFFFFFF  }
0x11: {  	s22 =	sld [smem:$0x3FDB];
	_ =	sdelay $0x1  }
0x12: {  	s5 =	simm.s32 $_scs_section_size  }
0x13: {  	s6 =	simm.s32 $_size__tile_overlayer_lowered;
	s7 =	simm.s32 $_tile_overlayer_lowered  }
0x14: {  	s8 =	simm.s32 $0x1BFF;
	s23 =	sshll.u32 s7, $0x1;
	s5 =	sadd.s32 s5, s22  }
0x15: {  	s24 =	simm.s32 $0x0;
	s6 =	sshll.u32 s6, $0x1;
	s7 =	sadd.s32 s23, s5  }
0x16: {  	[timem:s24], [sflag:s8] =	dma.local [hbm:s7], s6  }
0x17: {  	_ =	swait.ge [sflag:s8], s6  }
0x18: {  	s6 =	ssub.s32 $0x0, s6;
	[sflag:s8] =	ssyncset.done $0x0  }
0x19: {  	[sflag:s8] =	ssyncadd.s32 s6;
	_ =	sdelay $0x1  }
0x1a: {  	s25 =	simm.s32 $0x1B8B  }
0x1b: {  	_ =	swait.ge [sflag:s25], $0x1  }
0x1c: {  	[sflag:s25] =	ssyncset.done $0x0  }
0x1d: {  	[sflag:s25] =	ssyncadd.s32 $0xFFFFFFFF  }
0x1e: {  	s6 =	sld [smem:$0x0]  }
0x1f: {  	s7 =	sand.u32 $0xFFFFFFFE, s1  }
0x20: {  	p0 =	sne.s32 s1, s7  }
0x21: {  	s7 =	sshll.u32 @p0 s7, $0xE  }
0x22: {  	s7 =	sadd.s32 @p0 $0x11B8D, s7;
	s8 =	sshll.u32 @p0 s6, $0x11  }
0x23: {  	s7 =	sor.u32 @p0 s8, s7  }
0x24: {  	[sflag:s7] =	ssyncadd.remote.s32 @p0 $0x1;
	_ =	sdelay $0x1  }
0x25: {  	s7 =	simm.s32 @p0 $0x1B8D  }
0x26: {  	_ =	swait.eq @p0 [sflag:s7], $0x1  }
0x27: {  	[sflag:s7] =	ssyncadd.s32 @p0 $0xFFFFFFFF  }
0x28: {  	s8 =	sshll.u32 @!p0 s1, $0xE  }
0x29: {  	s8 =	sor.u32 @!p0 $0x4000, s8;
	s7 =	simm.s32 @!p0 $0x1B8D  }
0x2a: {  	s6 =	sshll.u32 @!p0 s6, $0x11;
	s8 =	sadd.s32 @!p0 $0x11B8D, s8;
	_ =	swait.eq @!p0 [sflag:s7], $0x1  }
0x2b: {  	s6 =	sor.u32 @!p0 s6, s8;
	[sflag:s7] =	ssyncadd.s32 @!p0 $0xFFFFFFFF  }
0x2c: {  	s26 =	simm.s32 $0x1B8E;
	[sflag:s6] =	ssyncadd.remote.s32 @!p0 $0x1  }
0x2d: {  	s27 =	simm.s32 $execute0_lowered;
	[smem:$0x3FD2] =	sst s26  }
0x2e: {  	s6 =	sshll.u32 s27, $0x1;
	_ =	strace $0x80000049;
	[dreg:$0x1] =	wrdreg $0xFFFFFFFF  }
0x2f: {  	s28 =	simm.s32 $_size_execute0_lowered;
	s5 =	sadd.s32 s5, s6;
	[dreg:$0x0] =	wrdreg $0x0  }
0x30: {  	s6 =	sshll.u32 s28, $0x1;
	[dreg:$0x2] =	wrdreg s5  }
0x31: {  	[dreg:$0x3] =	wrdreg s6  }
0x32: {  	[dreg:$0x4] =	wrdreg $0xC0  }
0x33: {  	_ =	task [dreg:s24], $0x5FFFF  }
0x34: {  	[dreg:$0x1] =	wrdreg $0xFFFFFFFF  }
0x35: {  	[dreg:$0x0] =	wrdreg $0x60  }
0x36: {  	[dreg:$0x2] =	wrdreg s20  }
0x37: {  	[dreg:$0x3] =	wrdreg s4  }
0x38: {  	[dreg:$0x4] =	wrdreg $0xA  }
0x39: {  	_ =	task.clear_ibuf [dreg:s24], $0x5FFFF;
	_ =	strace $0x90000049  }
0x3a: {  	s29 =	simm.s32 $0xA;
	_ =	strace $0x8000004B  }
0x3b: {  	_ =	swait.ge [sflag:s29], $0x1  }
0x3c: {  	[sflag:s29] =	ssyncadd.s32 $0xFFFFFFFF  }
0x3d: {  	_ =	strace $0x9000004B  }
0x3e: {  	_ =	sfence  }
0x3f: {  	s30 =	sld [smem:$0x0];
	_ =	sdelay $0x2  }
0x40: {  	s31 =	sshll.u32 s1, $0xD;
	s1 =	sshrl.u32 s1, $0x2  }
0x41: {  	s4 =	sand.u32 $0x4000, s31;
	s1 =	sadd.s32 s1, s30  }
0x42: {  	s0 =	sor.u32 s4, s0;
	s1 =	sshll.u32 s1, $0x11  }
0x43: {  	s0 =	sor.u32 s1, s0  }
0x44: {  	s0 =	sadd.s32 $0x8F2B, s0  }
0x45: {  	[sflag:s0] =	ssyncadd.remote.s32 $0x1  }
0x46: {  	_ =	sfence.sel $0xFFFF  }
0x47: {  	[dreg:$0x0] =	wrdreg $0xFFFFFFFF;
	(pc) =	sbr.abs _section_cstart, $3  }
0x48: {  	[dreg:$0x1] =	wrdreg $0xFFFFFFFF  }
0x49: {  	_ =	task.clear_ibuf [dreg:s24], $0x2FFFF;
	_ =	strace $0x9FFFFFFF  }
0x4a: {  	(tm) =	ssettm $0x7FFFFFFF  }
0x4b: {  	_ =	shalt  }
tec
execute0_lowered:
.L_overlay_start_1:
0x0: {  	(tag) =	ssettag $0x1  }
0x1: {  	s0 =	srdreg.scid  }
0x2: {  	s1 =	sshll.u32 s0, $0x4  }
0x3: {  	s2 =	rddreg [dreg:$0x0];
	s0 =	stileid.u32;
	s1 =	sand.u32 $0x10, s1  }
0x4: {  	s4 =	rddreg [dreg:$0x1];
	s1 =	sor.u32 s0, s1  }
0x5: {  	s7 =	simm.s32 $0x1;
	s8 =	simm.s32 $0x2;
	s3 =	sshll.u32 s1, $0x1  }
0x6: {  	s9 =	simm.s32 $0x0;
	s12 =	simm.s32 $0x0;
	s6 =	ssub.s32 $0x1000, s3  }
.Ltmp0:
0x7: {  	s11 =	simm.s32 $0x0;
	s5 =	sand.u32 $0x3E, s6;
	(pc) =	sbr.rel .LBB1_1-.Ltmp0, $4  }
0x8: {  	s1 =	rddreg [dreg:$0x2];
	_ =	strace $0x8000004A;
	p0 =	sne.s32 s5, $0x0  }
0x9: {  	s6 =	sshrl.u32 s6, $0x6;
	s5 =	simm.s32 $0x1;
	s7 =	simm.s32 @!p0 $0x0  }
0xa: {  	s10 =	smov.u32 s3;
	[sflag:s5] =	ssyncpa.u1 $0x0;
	s6 =	sadd.s32 s7, s6  }
0xb: {  	[sflag:s8] =	ssyncpa.u1 $0x0;
	s8 =	simm.s32 $0x0;
	s7 =	sadd.s32 $0x1, s6  }
.LBB1_9:
0xc: {  	s14 =	sadd.s32 $0x40, s10  }
0xd: {  	p1 =	sgt.s32 s14, $0xFFF  }
0xe: {  	s14 =	smov.u32 @p1 s3;
	p1 =	sne.s32 s11, s7  }
.Ltmp1:
0xf: {  	p0 =	slt.u32 s11, $0x2;
	(pc) =	sbr.rel @!p1 .LBB1_10-.Ltmp1, $4  }
0x10: {  	s13 =	simm.s32 @!p0 $0x2  }
0x11: {  	s15 =	sadd.s32 $0x1, s11;
	_ =	swait.ge @!p0 [sflag:s13], $0x4000  }
0x12: {  	s12 =	smov.u32 s10;
	s9 =	sadd.s32 $0x4000, s9;
	[sflag:s13] =	ssyncset.done @!p0 $0x0  }
0x13: {  	s11 =	smov.u32 s15;
	s10 =	smov.u32 s14;
	[sflag:s13] =	ssyncadd.s32 @!p0 $0xFFFFC000  }
.LBB1_1:
0x14: {  	p0 =	sge.u32 s11, s6  }
0x15: {  	s13 =	sxor.u32 @!p0 $0xFFFFFFFF, s11  }
0x16: {  	s31 =	sadd.s32 $0xFFFFFFFF, s11;
	s14 =	sshll.u32 @!p0 s10, $0xA;
	s13 =	sshll.u32 @!p0 s13, $0xE  }
0x17: {  	s15 =	simm.s32 @!p0 $0x0;
	s14 =	sadd.s32 @!p0 s2, s14;
	s13 =	sand.u32 @!p0 $0x4000, s13  }
0x18: {  	[tilespmem:s13], [sflag:$0x1] =	stream.linear.gather @!p0 [hbm4b:s14+s15], $0x4000, $0x38;
	[tilespmem:$0x10000] =	vst v63  }
0x19: {  	p0 =	sge.u32 s31, s6  }
.Ltmp2:
0x1a: {  	_ = 	snop;
	(pc) =	sbr.rel @p0 .LBB1_9-.Ltmp2, $1  }
0x1b: {  	_ =	sdelay $0x3  }
0x1c: {  	s13 =	sshll.u32 s9, $0x2  }
0x1d: {  	_ =	swait.ge [sflag:s5], $0x4000;
	s14 =	sshll.u32 s11, $0xE;
	s16 =	simm.s32 $0x0  }
0x1e: {  	p1 =	por $0x1, $0x1;
	s13 =	sand.u32 $0x10000, s13;
	[sflag:s5] =	ssyncset.done $0x0  }
0x1f: {  	s14 =	sand.u32 $0x4000, s14;
	s15 =	sshrl.u32 s13, $0x2;
	[sflag:s5] =	ssyncadd.s32 $0xFFFFC000  }
0x20: {  	s13 =	sor.u32 $0x8000, s14;
	s14 =	sadd.s32 $0x8040, s15;
	s15 =	sadd.s32 $0x40, s15  }
.LBB1_3:
0x21: {  	s16 =	sshll.u32 s16, $0x2  }
0x22: {  	p0 =	por p1, p1;
	s17 =	sshra.s32 s16, $0x2  }
0x23: {  	s18 =	simm.s32 $0x0;
	s16 =	sadd.s32 s17, s14;
	s17 =	sadd.s32 s17, s15  }
.LBB1_4:
0x24: {  	v0 =	vmov s17;
	_ =	sdelay $0x3  }
0x25: {  	s20 =	simm.s32 $0x0  }
0x26: {  	v6 =	vld.idx.msk [tilespmem:v0+s20+$0x30 ss:$0x1], $0xffff  }
0x27: {  	v7 =	vld.idx.msk [tilespmem:v0+s20+$0xFFFFFFC0 ss:$0x1], $0xffff  }
0x28: {  	v5 =	vld.idx.msk [tilespmem:v0+s20+$0xFFFFFFD0 ss:$0x1], $0xffff  }
0x29: {  	v4 =	vld.idx.msk [tilespmem:v0+s20+$0xFFFFFFE0 ss:$0x1], $0xffff  }
0x2a: {  	v3 =	vld.idx.msk [tilespmem:v0+s20+$0xFFFFFFF0 ss:$0x1], $0xffff  }
0x2b: {  	v1 =	vld.idx.msk [tilespmem:v0+s20+$0x0 ss:$0x1], $0xffff  }
0x2c: {  	v2 =	vld.idx.msk [tilespmem:v0+s20+$0x10 ss:$0x1], $0xffff;
	[tilespmem:s16+$0x30] =	vst v6  }
0x2d: {  	s19 =	simm.s32 $0x80;
	s21 =	simm.s32 $0x400;
	[tilespmem:s16+$0xFFFFFFC0] =	vst v7;
	v6 =	vld.idx.msk [tilespmem:v0+s20+$0x20 ss:$0x1], $0xffff;
	s20 =	smov.u32 s16  }
.LBB1_5:
0x2e: {  	p1 =	sne.s32 s21, $0xE00;
	v7 =	vld.idx.msk [tilespmem:v0+s19+$0x30 ss:$0x1], $0xffff;
	[tilespmem:s20+$0xFFFFFFD0] =	vst v5  }
0x2f: {  	v8 =	vld.idx.msk [tilespmem:v0+s19+$0xFFFFFFC0 ss:$0x1], $0xffff;
	[tilespmem:s20+$0xFFFFFFE0] =	vst v4  }
0x30: {  	v5 =	vld.idx.msk [tilespmem:v0+s19+$0xFFFFFFD0 ss:$0x1], $0xffff;
	[tilespmem:s20+$0xFFFFFFF0] =	vst v3  }
.Ltmp3:
0x31: {  	v4 =	vld.idx.msk [tilespmem:v0+s19+$0xFFFFFFE0 ss:$0x1], $0xffff;
	[tilespmem:s20+$0x0] =	vst v1;
	(pc) =	sbr.rel @p1 .LBB1_5-.Ltmp3, $4  }
0x32: {  	v3 =	vld.idx.msk [tilespmem:v0+s19+$0xFFFFFFF0 ss:$0x1], $0xffff;
	[tilespmem:s20+$0x10] =	vst v2  }
0x33: {  	v1 =	vld.idx.msk [tilespmem:v0+s19+$0x0 ss:$0x1], $0xffff;
	[tilespmem:s20+$0x20] =	vst v6;
	s20 =	sadd.s32 $0x400, s20  }
0x34: {  	v2 =	vld.idx.msk [tilespmem:v0+s19+$0x10 ss:$0x1], $0xffff;
	[tilespmem:s20+$0x30] =	vst v7  }
0x35: {  	[tilespmem:s20+$0xFFFFFFC0] =	vst v8;
	v6 =	vld.idx.msk [tilespmem:v0+s19+$0x20 ss:$0x1], $0xffff;
	s19 =	sshra.s32 s21, $0x2;
	s21 =	sadd.s32 $0x200, s21  }
0x36: {  	_ =	sdelay $0x2  }
0x37: {  	[tilespmem:s20+$0xFFFFFFD0] =	vst v5  }
0x38: {  	v56 =	vld.idx.msk [tilespmem:v0+s19+$0x30 ss:$0x1], $0xffff;
	[tilespmem:s20+$0xFFFFFFE0] =	vst v4  }
0x39: {  	v57 =	vld.idx.msk [tilespmem:v0+s19+$0xFFFFFFC0 ss:$0x1], $0xffff;
	[tilespmem:s20+$0xFFFFFFF0] =	vst v3  }
0x3a: {  	v58 =	vld.idx.msk [tilespmem:v0+s19+$0xFFFFFFD0 ss:$0x1], $0xffff;
	[tilespmem:s20+$0x0] =	vst v1  }
0x3b: {  	v59 =	vld.idx.msk [tilespmem:v0+s19+$0xFFFFFFE0 ss:$0x1], $0xffff;
	[tilespmem:s20+$0x10] =	vst v2  }
0x3c: {  	v60 =	vld.idx.msk [tilespmem:v0+s19+$0xFFFFFFF0 ss:$0x1], $0xffff;
	s31 =	sadd.s32 $0x400, s20;
	[tilespmem:s20+$0x20] =	vst v6  }
0x3d: {  	v61 =	vld.idx.msk [tilespmem:v0+s19+$0x0 ss:$0x1], $0xffff;
	[tilespmem:s31+$0x30] =	vst v56  }
0x3e: {  	v62 =	vld.idx.msk [tilespmem:v0+s19+$0x10 ss:$0x1], $0xffff;
	s18 =	sadd.s32 $0x1, s18;
	[tilespmem:s31+$0xFFFFFFC0] =	vst v57  }
0x3f: {  	v63 =	vld.idx.msk [tilespmem:v0+s19+$0x20 ss:$0x1], $0xffff;
	p1 =	sne.s32 s18, $0x8;
	[tilespmem:s31+$0xFFFFFFD0] =	vst v58  }
.Ltmp4:
0x40: {  	[tilespmem:s31+$0xFFFFFFE0] =	vst v59;
	(pc) =	sbr.rel @p1 .LBB1_4-.Ltmp4, $4  }
0x41: {  	[tilespmem:s31+$0xFFFFFFF0] =	vst v60  }
0x42: {  	[tilespmem:s31+$0x0] =	vst v61  }
0x43: {  	[tilespmem:s31+$0x10] =	vst v62  }
0x44: {  	s16 =	sadd.s32 $0x80, s16;
	s17 =	sadd.s32 $0x400, s17;
	[tilespmem:s31+$0x20] =	vst v63  }
.Ltmp5:
0x45: {  	(pc) =	sbr.rel @p0 .LBB1_3-.Ltmp5, $2  }
0x46: {  	_ =	sdelay $0x2  }
0x47: {  	s16 =	simm.s32 $0x2000;
	p1 =	por $0x0, $0x0  }
.Ltmp6:
0x48: {  	(pc) =	sbr.rel .LBB1_9-.Ltmp6, $4  }
0x49: {  	_ = 	snop  }
0x4a: {  	s12 =	sshll.u32 s12, $0xA  }
0x4b: {  	s12 =	sadd.s32 s4, s12  }
0x4c: {  	[hbm4b:s12+s8] =	stream.linear.scatter [tilespmem:s13], [sflag:$0x2], $0x4000, $0x38;
	[tilespmem:$0x10000] =	vst v63  }
.LBB1_10:
0x4d: {  	_ =	sfence.sel $0x180000  }
0x4e: {  	s2 =	simm.s32 $0x1;
	[bflag:$0x0] =	sbarrier.arrive $0xFFFF  }
0x4f: {  	s31 =	simm.s32 $0x2;
	[sflag:s2] =	ssyncpa.u1 $0x1  }
0x50: {  	[sflag:s31] =	ssyncpa.u1 $0x1  }
0x51: {  	p0 =	sne.s32 s0, $0x0;
	_ =	strace $0x9000004A  }
0x52: {  	s0 =	sadd.s32 @!p0 $0x100000, s1;
	[bflag:$0x2] =	sbarrier.arrive $0xFFFF  }
0x53: {  	[sflag:s0] =	ssyncadd.tile.s32 @!p0 $0x1;
	_ =	shalt  }
.Lfunc_end1:
_tile_overlayer_lowered:
.L_overlay_start_2:
0x54: {  	(tag) =	ssettag $0x2  }
0x55: {  	s0 =	rddreg [dreg:$0x0];
	s2 =	stileid.u32  }
0x56: {  	s1 =	rddreg [dreg:$0x1];
	p0 =	sne.s32 s2, $0x0  }
0x57: {  	s3 =	rddreg [dreg:$0x2];
	[bflag:$0x3] =	sbarrier.arrive $0xFFFF;
	s2 =	simm.s32 @!p0 $0x1C01  }
0x58: {  	[timem:s3], [sflag:s2] =	dma.local @!p0 [hbm:s0], s1  }
0x59: {  	s0 =	simm.s32 @!p0 $0x1  }
0x5a: {  	_ =	swait.ge @!p0 [sflag:s0], s1  }
0x5b: {  	s1 =	ssub.s32 @!p0 $0x0, s1;
	[sflag:s0] =	ssyncset.done @!p0 $0x0  }
0x5c: {  	[sflag:s0] =	ssyncadd.s32 @!p0 s1  }
0x5d: {  	[bflag:$0x3] =	sbarrier.arrive $0xFFFF  }
0x5e: {  	_ =	shalt  }

// kernel: sparse-core-data-format-call.cloned.1.call-start
scs
called_computation_lowered:
.L_overlay_start_0:
0x0: {  	s2 =	sld [smem:$0x3FD9]  }
0x1: {  	s3 =	sld [smem:$0x3FFE];
	_ =	sdelay $0x1  }
0x2: {  	s1 =	srdreg.scid  }
0x3: {  	s0 =	sand.u32 $0x1, s1  }
0x4: {  	s18 =	sshll.u32 s0, $0xA;
	s2 =	sadd.s32 s3, s2  }
0x5: {  	s2 =	sadd.s32 s2, s18  }
0x6: {  	[smem:$0x3FC6] =	sst s2  }
0x7: {  	_ = 	snop  }
0x8: {  	s2 =	sld [smem:$0x3FC8];
	(tm) =	ssettm $0x1  }
0x9: {  	s19 =	sld [smem:$0x3FFB];
	_ =	sdelay $0x3  }
0xa: {  	_ =	strace s19  }
0xb: {  	s3 =	sld [smem:$0x3FFC];
	_ =	sdelay $0x3  }
0xc: {  	_ =	strace s3  }
0xd: {  	s3 =	sld [smem:$0x3FFD];
	_ =	sdelay $0x3  }
0xe: {  	_ =	strace s3  }
0xf: {  	_ =	strace $0x8FFFFFFF  }
0x10: {  	s20 =	sld [smem:$0x3FDB];
	_ =	sdelay $0x1  }
0x11: {  	s4 =	simm.s32 $_scs_section_size  }
0x12: {  	s5 =	simm.s32 $_size__tile_overlayer_lowered;
	s6 =	simm.s32 $_tile_overlayer_lowered  }
0x13: {  	s23 =	simm.s32 $0x1BFF;
	s22 =	sshll.u32 s6, $0x1;
	s3 =	sadd.s32 s4, s20  }
0x14: {  	s7 =	simm.s32 $0x0;
	s21 =	sshll.u32 s5, $0x1;
	s5 =	sadd.s32 s22, s3  }
0x15: {  	[timem:s7], [sflag:s23] =	dma.local [hbm:s5], s21  }
0x16: {  	_ =	swait.ge [sflag:s23], s21  }
0x17: {  	s4 =	ssub.s32 $0x0, s21;
	[sflag:s23] =	ssyncset.done $0x0  }
0x18: {  	[sflag:s23] =	ssyncadd.s32 s4;
	_ =	sdelay $0x1  }
0x19: {  	s24 =	simm.s32 $0x1B8B  }
0x1a: {  	_ =	swait.ge [sflag:s24], $0x1  }
0x1b: {  	[sflag:s24] =	ssyncset.done $0x0  }
0x1c: {  	s26 =	simm.s32 $0x1B8E;
	s25 =	sld [smem:$0x3FFE];
	[sflag:s24] =	ssyncadd.s32 $0xFFFFFFFF  }
0x1d: {  	s27 =	simm.s32 $execute0_lowered;
	[smem:$0x3FD2] =	sst s26  }
0x1e: {  	s5 =	sshll.u32 s27, $0x1;
	_ =	strace $0x80000046;
	[dreg:$0x1] =	wrdreg $0xFFFFFFFF  }
0x1f: {  	s28 =	simm.s32 $_size_execute0_lowered;
	s3 =	sadd.s32 s3, s5;
	[dreg:$0x0] =	wrdreg $0x0  }
0x20: {  	s5 =	sshll.u32 s28, $0x1;
	[dreg:$0x2] =	wrdreg s3  }
0x21: {  	[dreg:$0x3] =	wrdreg s5  }
0x22: {  	[dreg:$0x4] =	wrdreg $0xC0  }
0x23: {  	_ =	task [dreg:s7], $0x5FFFF  }
0x24: {  	[dreg:$0x1] =	wrdreg $0xFFFFFFFF  }
0x25: {  	[dreg:$0x0] =	wrdreg $0x60  }
0x26: {  	[dreg:$0x2] =	wrdreg s2  }
0x27: {  	[dreg:$0x3] =	wrdreg s25  }
0x28: {  	[dreg:$0x4] =	wrdreg $0x9  }
0x29: {  	_ =	task.clear_ibuf [dreg:s7], $0x5FFFF;
	_ =	strace $0x90000046  }
0x2a: {  	s29 =	simm.s32 $0x9;
	_ =	strace $0x80000048  }
0x2b: {  	_ =	swait.ge [sflag:s29], $0x1  }
0x2c: {  	[sflag:s29] =	ssyncadd.s32 $0xFFFFFFFF  }
0x2d: {  	_ =	strace $0x90000048  }
0x2e: {  	_ =	sfence  }
0x2f: {  	s30 =	sld [smem:$0x0];
	_ =	sdelay $0x2  }
0x30: {  	s31 =	sshll.u32 s1, $0xD;
	s1 =	sshrl.u32 s1, $0x2  }
0x31: {  	s3 =	sand.u32 $0x4000, s31;
	s1 =	sadd.s32 s1, s30  }
0x32: {  	s0 =	sor.u32 s3, s0;
	s1 =	sshll.u32 s1, $0x11  }
0x33: {  	s0 =	sor.u32 s1, s0  }
0x34: {  	s0 =	sadd.s32 $0x8F2B, s0  }
0x35: {  	[sflag:s0] =	ssyncadd.remote.s32 $0x1  }
0x36: {  	_ =	sfence.sel $0xFFFF  }
0x37: {  	[dreg:$0x0] =	wrdreg $0xFFFFFFFF;
	(pc) =	sbr.abs _section_cstart, $3  }
0x38: {  	[dreg:$0x1] =	wrdreg $0xFFFFFFFF  }
0x39: {  	_ =	task.clear_ibuf [dreg:s7], $0x2FFFF;
	_ =	strace $0x9FFFFFFF  }
0x3a: {  	(tm) =	ssettm $0x7FFFFFFF  }
0x3b: {  	_ =	shalt  }
tec
execute0_lowered:
.L_overlay_start_1:
0x0: {  	(tag) =	ssettag $0x1  }
0x1: {  	s0 =	srdreg.scid  }
0x2: {  	s1 =	sshll.u32 s0, $0x4  }
0x3: {  	s2 =	rddreg [dreg:$0x0];
	s0 =	stileid.u32;
	s1 =	sand.u32 $0x10, s1  }
0x4: {  	s4 =	rddreg [dreg:$0x1];
	s7 =	simm.s32 $0x1;
	s1 =	sor.u32 s0, s1  }
0x5: {  	s8 =	simm.s32 $0x2;
	s9 =	simm.s32 $0x0;
	s3 =	sshll.u32 s1, $0x1  }
0x6: {  	s12 =	simm.s32 $0x0;
	s11 =	simm.s32 $0x0;
	s6 =	ssub.s32 $0x400, s3  }
.Ltmp0:
0x7: {  	s4 =	sadd.s32 $0xC00, s4;
	s5 =	sand.u32 $0x3E, s6;
	(pc) =	sbr.rel .LBB1_1-.Ltmp0, $4  }
0x8: {  	s1 =	rddreg [dreg:$0x2];
	_ =	strace $0x80000047;
	p0 =	sne.s32 s5, $0x0  }
0x9: {  	s6 =	sshrl.u32 s6, $0x6;
	s5 =	simm.s32 $0x1;
	s7 =	simm.s32 @!p0 $0x0  }
0xa: {  	s10 =	smov.u32 s3;
	[sflag:s5] =	ssyncpa.u1 $0x0;
	s6 =	sadd.s32 s7, s6  }
0xb: {  	[sflag:s8] =	ssyncpa.u1 $0x0;
	s8 =	simm.s32 $0x0;
	s7 =	sadd.s32 $0x1, s6  }
.LBB1_9:
0xc: {  	s14 =	sadd.s32 $0x40, s10  }
0xd: {  	p1 =	sgt.s32 s14, $0x3FF  }
0xe: {  	s14 =	smov.u32 @p1 s3;
	p1 =	sne.s32 s11, s7  }
.Ltmp1:
0xf: {  	p0 =	slt.u32 s11, $0x2;
	(pc) =	sbr.rel @!p1 .LBB1_10-.Ltmp1, $4  }
0x10: {  	s13 =	simm.s32 @!p0 $0x2  }
0x11: {  	s15 =	sadd.s32 $0x1, s11;
	_ =	swait.ge @!p0 [sflag:s13], $0x4000  }
0x12: {  	s12 =	smov.u32 s10;
	s9 =	sadd.s32 $0x4000, s9;
	[sflag:s13] =	ssyncset.done @!p0 $0x0  }
0x13: {  	s11 =	smov.u32 s15;
	s10 =	smov.u32 s14;
	[sflag:s13] =	ssyncadd.s32 @!p0 $0xFFFFC000  }
.LBB1_1:
0x14: {  	p0 =	sge.u32 s11, s6  }
0x15: {  	s13 =	sxor.u32 @!p0 $0xFFFFFFFF, s11  }
0x16: {  	s31 =	sadd.s32 $0xFFFFFFFF, s11;
	s14 =	sshll.u32 @!p0 s10, $0xA;
	s13 =	sshll.u32 @!p0 s13, $0xE  }
0x17: {  	s15 =	simm.s32 @!p0 $0x0;
	s14 =	sadd.s32 @!p0 s2, s14;
	s13 =	sand.u32 @!p0 $0x4000, s13  }
0x18: {  	[tilespmem:s13], [sflag:$0x1] =	stream.linear.gather @!p0 [hbm4b:s14+s15], $0x4000, $0x38;
	[tilespmem:$0x10000] =	vst v63  }
0x19: {  	p0 =	sge.u32 s31, s6  }
.Ltmp2:
0x1a: {  	_ = 	snop;
	(pc) =	sbr.rel @p0 .LBB1_9-.Ltmp2, $1  }
0x1b: {  	_ =	sdelay $0x3  }
0x1c: {  	s13 =	sshll.u32 s9, $0x2  }
0x1d: {  	_ =	swait.ge [sflag:s5], $0x4000;
	s14 =	sshll.u32 s11, $0xE;
	s16 =	simm.s32 $0x0  }
0x1e: {  	p1 =	por $0x1, $0x1;
	s13 =	sand.u32 $0x10000, s13;
	[sflag:s5] =	ssyncset.done $0x0  }
0x1f: {  	s14 =	sand.u32 $0x4000, s14;
	s15 =	sshrl.u32 s13, $0x2;
	[sflag:s5] =	ssyncadd.s32 $0xFFFFC000  }
0x20: {  	s13 =	sor.u32 $0x8000, s14;
	s14 =	sadd.s32 $0x8040, s15;
	s15 =	sadd.s32 $0x40, s15  }
.LBB1_3:
0x21: {  	s16 =	sshll.u32 s16, $0x2  }
0x22: {  	p0 =	por p1, p1;
	s17 =	sshra.s32 s16, $0x2  }
0x23: {  	s18 =	simm.s32 $0x0;
	s16 =	sadd.s32 s17, s14;
	s17 =	sadd.s32 s17, s15  }
.LBB1_4:
0x24: {  	v0 =	vmov s17;
	_ =	sdelay $0x3  }
0x25: {  	s20 =	simm.s32 $0x0  }
0x26: {  	v6 =	vld.idx.msk [tilespmem:v0+s20+$0x30 ss:$0x1], $0xffff  }
0x27: {  	v7 =	vld.idx.msk [tilespmem:v0+s20+$0xFFFFFFC0 ss:$0x1], $0xffff  }
0x28: {  	v5 =	vld.idx.msk [tilespmem:v0+s20+$0xFFFFFFD0 ss:$0x1], $0xffff  }
0x29: {  	v4 =	vld.idx.msk [tilespmem:v0+s20+$0xFFFFFFE0 ss:$0x1], $0xffff  }
0x2a: {  	v3 =	vld.idx.msk [tilespmem:v0+s20+$0xFFFFFFF0 ss:$0x1], $0xffff  }
0x2b: {  	v1 =	vld.idx.msk [tilespmem:v0+s20+$0x0 ss:$0x1], $0xffff  }
0x2c: {  	v2 =	vld.idx.msk [tilespmem:v0+s20+$0x10 ss:$0x1], $0xffff;
	[tilespmem:s16+$0x30] =	vst v6  }
0x2d: {  	s19 =	simm.s32 $0x80;
	s21 =	simm.s32 $0x400;
	[tilespmem:s16+$0xFFFFFFC0] =	vst v7;
	v6 =	vld.idx.msk [tilespmem:v0+s20+$0x20 ss:$0x1], $0xffff;
	s20 =	smov.u32 s16  }
.LBB1_5:
0x2e: {  	p1 =	sne.s32 s21, $0xE00;
	v7 =	vld.idx.msk [tilespmem:v0+s19+$0x30 ss:$0x1], $0xffff;
	[tilespmem:s20+$0xFFFFFFD0] =	vst v5  }
0x2f: {  	v8 =	vld.idx.msk [tilespmem:v0+s19+$0xFFFFFFC0 ss:$0x1], $0xffff;
	[tilespmem:s20+$0xFFFFFFE0] =	vst v4  }
0x30: {  	v5 =	vld.idx.msk [tilespmem:v0+s19+$0xFFFFFFD0 ss:$0x1], $0xffff;
	[tilespmem:s20+$0xFFFFFFF0] =	vst v3  }
.Ltmp3:
0x31: {  	v4 =	vld.idx.msk [tilespmem:v0+s19+$0xFFFFFFE0 ss:$0x1], $0xffff;
	[tilespmem:s20+$0x0] =	vst v1;
	(pc) =	sbr.rel @p1 .LBB1_5-.Ltmp3, $4  }
0x32: {  	v3 =	vld.idx.msk [tilespmem:v0+s19+$0xFFFFFFF0 ss:$0x1], $0xffff;
	[tilespmem:s20+$0x10] =	vst v2  }
0x33: {  	v1 =	vld.idx.msk [tilespmem:v0+s19+$0x0 ss:$0x1], $0xffff;
	[tilespmem:s20+$0x20] =	vst v6;
	s20 =	sadd.s32 $0x400, s20  }
0x34: {  	v2 =	vld.idx.msk [tilespmem:v0+s19+$0x10 ss:$0x1], $0xffff;
	[tilespmem:s20+$0x30] =	vst v7  }
0x35: {  	[tilespmem:s20+$0xFFFFFFC0] =	vst v8;
	v6 =	vld.idx.msk [tilespmem:v0+s19+$0x20 ss:$0x1], $0xffff;
	s19 =	sshra.s32 s21, $0x2;
	s21 =	sadd.s32 $0x200, s21  }
0x36: {  	_ =	sdelay $0x2  }
0x37: {  	[tilespmem:s20+$0xFFFFFFD0] =	vst v5  }
0x38: {  	v56 =	vld.idx.msk [tilespmem:v0+s19+$0x30 ss:$0x1], $0xffff;
	[tilespmem:s20+$0xFFFFFFE0] =	vst v4  }
0x39: {  	v57 =	vld.idx.msk [tilespmem:v0+s19+$0xFFFFFFC0 ss:$0x1], $0xffff;
	[tilespmem:s20+$0xFFFFFFF0] =	vst v3  }
0x3a: {  	v58 =	vld.idx.msk [tilespmem:v0+s19+$0xFFFFFFD0 ss:$0x1], $0xffff;
	[tilespmem:s20+$0x0] =	vst v1  }
0x3b: {  	v59 =	vld.idx.msk [tilespmem:v0+s19+$0xFFFFFFE0 ss:$0x1], $0xffff;
	[tilespmem:s20+$0x10] =	vst v2  }
0x3c: {  	v60 =	vld.idx.msk [tilespmem:v0+s19+$0xFFFFFFF0 ss:$0x1], $0xffff;
	s31 =	sadd.s32 $0x400, s20;
	[tilespmem:s20+$0x20] =	vst v6  }
0x3d: {  	v61 =	vld.idx.msk [tilespmem:v0+s19+$0x0 ss:$0x1], $0xffff;
	[tilespmem:s31+$0x30] =	vst v56  }
0x3e: {  	v62 =	vld.idx.msk [tilespmem:v0+s19+$0x10 ss:$0x1], $0xffff;
	s18 =	sadd.s32 $0x1, s18;
	[tilespmem:s31+$0xFFFFFFC0] =	vst v57  }
0x3f: {  	v63 =	vld.idx.msk [tilespmem:v0+s19+$0x20 ss:$0x1], $0xffff;
	p1 =	sne.s32 s18, $0x8;
	[tilespmem:s31+$0xFFFFFFD0] =	vst v58  }
.Ltmp4:
0x40: {  	[tilespmem:s31+$0xFFFFFFE0] =	vst v59;
	(pc) =	sbr.rel @p1 .LBB1_4-.Ltmp4, $4  }
0x41: {  	[tilespmem:s31+$0xFFFFFFF0] =	vst v60  }
0x42: {  	[tilespmem:s31+$0x0] =	vst v61  }
0x43: {  	[tilespmem:s31+$0x10] =	vst v62  }
0x44: {  	s16 =	sadd.s32 $0x80, s16;
	s17 =	sadd.s32 $0x400, s17;
	[tilespmem:s31+$0x20] =	vst v63  }
.Ltmp5:
0x45: {  	(pc) =	sbr.rel @p0 .LBB1_3-.Ltmp5, $2  }
0x46: {  	_ =	sdelay $0x2  }
0x47: {  	s16 =	simm.s32 $0x2000;
	p1 =	por $0x0, $0x0  }
.Ltmp6:
0x48: {  	(pc) =	sbr.rel .LBB1_9-.Ltmp6, $4  }
0x49: {  	_ = 	snop  }
0x4a: {  	s12 =	sshll.u32 s12, $0xA  }
0x4b: {  	s12 =	sadd.s32 s4, s12  }
0x4c: {  	[hbm4b:s12+s8] =	stream.linear.scatter [tilespmem:s13], [sflag:$0x2], $0x4000, $0x38;
	[tilespmem:$0x10000] =	vst v63  }
.LBB1_10:
0x4d: {  	_ =	sfence.sel $0x180000  }
0x4e: {  	s2 =	simm.s32 $0x1;
	[bflag:$0x0] =	sbarrier.arrive $0xFFFF  }
0x4f: {  	s31 =	simm.s32 $0x2;
	[sflag:s2] =	ssyncpa.u1 $0x1  }
0x50: {  	[sflag:s31] =	ssyncpa.u1 $0x1  }
0x51: {  	p0 =	sne.s32 s0, $0x0;
	_ =	strace $0x90000047  }
0x52: {  	s0 =	sadd.s32 @!p0 $0x100000, s1;
	[bflag:$0x2] =	sbarrier.arrive $0xFFFF  }
0x53: {  	[sflag:s0] =	ssyncadd.tile.s32 @!p0 $0x1;
	_ =	shalt  }
.Lfunc_end1:
_tile_overlayer_lowered:
.L_overlay_start_2:
0x54: {  	(tag) =	ssettag $0x2  }
0x55: {  	s0 =	rddreg [dreg:$0x0];
	s2 =	stileid.u32  }
0x56: {  	s1 =	rddreg [dreg:$0x1];
	p0 =	sne.s32 s2, $0x0  }
0x57: {  	s3 =	rddreg [dreg:$0x2];
	[bflag:$0x3] =	sbarrier.arrive $0xFFFF;
	s2 =	simm.s32 @!p0 $0x1C01  }
0x58: {  	[timem:s3], [sflag:s2] =	dma.local @!p0 [hbm:s0], s1  }
0x59: {  	s0 =	simm.s32 @!p0 $0x1  }
0x5a: {  	_ =	swait.ge @!p0 [sflag:s0], s1  }
0x5b: {  	s1 =	ssub.s32 @!p0 $0x0, s1;
	[sflag:s0] =	ssyncset.done @!p0 $0x0  }
0x5c: {  	[sflag:s0] =	ssyncadd.s32 @!p0 s1  }
0x5d: {  	[bflag:$0x3] =	sbarrier.arrive $0xFFFF  }
0x5e: {  	_ =	shalt  }

</sc_bundles>
